<compile_context>
chip_gen: v7x
topology: tpu7x:2x2x1
jax: 0.10.2.dev20260603
libtpu: 0.0.44.dev20260713+nightly
codegen_flags: <defaults>
</compile_context>

<pallas_src>
import functools

import jax
import jax.numpy as jnp
from jax import lax
from jax.experimental import pallas as pl
from jax.experimental.pallas import tpu as pltpu
from jax.experimental.pallas import tpu_sc as plsc

NC = 2
NS = 16
CHUNK = 80
NSLOT = 4
GLEAD = 3
SDEFER = 1


def _segment_sum_sc(feat2, src2, dst3, n):
    dh = feat2.shape[1]
    nchunk = dst3.shape[1]
    zr = -(-n // (NS * 8)) * 8
    n_pad = zr * NS
    zrb = 160
    passes = [(o, min(zrb, zr - o)) for o in range(0, zr, zrb)]

    mesh = plsc.VectorSubcoreMesh(core_axis_name="c", subcore_axis_name="s")

    @functools.partial(
        pl.kernel,
        out_type=jax.ShapeDtypeStruct((NC, n_pad, dh), jnp.float32),
        mesh=mesh,
        scratch_types=(
            [pltpu.VMEM((nchunk * CHUNK,), jnp.int32),
             pltpu.VMEM((nchunk, CHUNK), jnp.int32)]
            + [pltpu.VMEM((CHUNK, dh), jnp.float32)] * NSLOT
            + [pltpu.VMEM((zrb, dh), jnp.float32)]
            + [pltpu.VMEM_SHARED((n_pad, dh), jnp.float32)]
            + [pltpu.SemaphoreType.DMA] * (2 * NSLOT)
        ),
        compiler_params=pltpu.CompilerParams(use_tc_tiling_on_sc=False),
    )
    def seg(feat_hbm, src_hbm, dst_hbm, out_hbm, srcb, dstb, *rest):
        rows = list(rest[:NSLOT])
        buf_v = rest[NSLOT]
        acc_sh = rest[NSLOT + 1]
        gsem = list(rest[NSLOT + 2:2 * NSLOT + 2])
        ssem = list(rest[2 * NSLOT + 2:])
        c = lax.axis_index("c")
        s = lax.axis_index("s")

        cp_src = pltpu.async_copy(src_hbm.at[c * NS + s], srcb, gsem[0])
        cp_dst = pltpu.async_copy(dst_hbm.at[s], dstb, gsem[1])

        def zrow(r, carry):
            for j in range(dh // 16):
                buf_v[r, pl.ds(j * 16, 16)] = jnp.zeros((16,), jnp.float32)
            return carry
        lax.fori_loop(0, zrb, zrow, 0)
        for off, sz in passes:
            pltpu.sync_copy(buf_v.at[pl.ds(0, sz)],
                            acc_sh.at[pl.ds(s * zr + off, sz)])
        cp_src.wait()
        cp_dst.wait()
        plsc.subcore_barrier()


        def issue_g(v, b):
            pltpu.async_copy(
                feat_hbm.at[srcb.at[pl.ds(v * CHUNK, CHUNK)]],
                rows[b], gsem[b])

        def wait_g(v, b):
            pltpu.make_async_copy(
                feat_hbm.at[srcb.at[pl.ds(v * CHUNK, CHUNK)]],
                rows[b], gsem[b]).wait()

        def issue_s(v, b):
            pltpu.async_copy(rows[b], acc_sh.at[dstb.at[v]], ssem[b],
                             add=True)

        def wait_s(v, b):
            pltpu.make_async_copy(rows[b], acc_sh.at[dstb.at[v]],
                                  ssem[b]).wait()

        for b in range(GLEAD):
            issue_g(b, b)

        def visitn(i, carry):
            for b in range(NSLOT):
                v = NSLOT * i + b

                @pl.when(v < nchunk)
                def _(v=v, b=b):
                    wait_g(v, b)
                    issue_s(v, b)

                @pl.when(jnp.logical_and(v >= SDEFER, v < nchunk + SDEFER))
                def _(v=v, b=b):
                    wait_s(v - SDEFER, (b - SDEFER) % NSLOT)

                @pl.when(v + GLEAD < nchunk)
                def _(v=v, b=b):
                    issue_g(v + GLEAD, (b + GLEAD) % NSLOT)
            return carry
        lax.fori_loop(0, (nchunk + NSLOT - 1) // NSLOT, visitn, 0)

        plsc.subcore_barrier()
        pltpu.sync_copy(acc_sh.at[pl.ds(s * zr, zr)],
                        out_hbm.at[c, pl.ds(s * zr, zr)])

    return seg(feat2, src2, dst3)


def _dense(parts, x, w_l, b_l, w_r, do_norm):
    n, d = x.shape
    rb = 1000
    dh = d // NC

    def body(p_ref, x_ref, wl_ref, b_ref, wr_ref, o_ref):
        agg = jnp.concatenate([p_ref[0], p_ref[1]], axis=1)
        dn = (((1,), (1,)), ((), ()))
        y = lax.dot_general(agg, wl_ref[...], dn,
                            preferred_element_type=jnp.float32)
        y = y + lax.dot_general(x_ref[...], wr_ref[...], dn,
                                preferred_element_type=jnp.float32)
        y = y + b_ref[...]
        if do_norm:
            y = jnp.maximum(y, 0.0)
            nrm = jnp.sqrt(jnp.sum(y * y, axis=1, keepdims=True))
            y = y / jnp.maximum(nrm, 1e-12)
        o_ref[...] = y

    return pl.pallas_call(
        body,
        grid=(n // rb,),
        in_specs=[
            pl.BlockSpec((NC, rb, dh), lambda i: (0, i, 0)),
            pl.BlockSpec((rb, d), lambda i: (i, 0)),
            pl.BlockSpec((d, d), lambda i: (0, 0)),
            pl.BlockSpec((1, d), lambda i: (0, 0)),
            pl.BlockSpec((d, d), lambda i: (0, 0)),
        ],
        out_specs=pl.BlockSpec((rb, d), lambda i: (i, 0)),
        out_shape=jax.ShapeDtypeStruct((n, d), jnp.float32),
    )(parts, x, w_l, b_l.reshape(1, d), w_r)


def kernel(x, edge_index, edge_feature, W_l0, b_l0, W_r0, W_l1, b_l1, W_r1):
    n, d = x.shape
    dh = d // NC
    e = edge_index.shape[1]
    per_tile = e // NS
    nchunk = -(-per_tile // CHUNK)
    pt_pad = nchunk * CHUNK
    pad = pt_pad - per_tile
    zr = -(-n // (NS * 8)) * 8
    n_pad = zr * NS
    src = edge_index[0]
    dst = edge_index[1]
    src2 = jnp.concatenate([2 * src, 2 * src + 1]).reshape(NC * NS, per_tile)
    src2 = jnp.pad(src2, ((0, 0), (0, pad)))
    dst3 = jnp.pad(dst.reshape(NS, per_tile), ((0, 0), (0, pad)),
                   constant_values=n_pad - 1).reshape(NS, nchunk, CHUNK)

    p0 = _segment_sum_sc(x.reshape(NC * n, dh), src2, dst3, n)
    h = _dense(p0, x, W_l0, b_l0, W_r0, do_norm=True)
    p1 = _segment_sum_sc(h.reshape(NC * n, dh), src2, dst3, n)
    return _dense(p1, h, W_l1, b_l1, W_r1, do_norm=False)

# --- scband reference (transcript-rebuilt; emitter-appended) ---
"""Pipeline reference for scband-sage-encoder-85873576117016 (READ-ONLY COPY).

The authoritative reference and input builder live on the scoring server;
editing this copy changes nothing except your own understanding.
"""

import jax, jax.numpy as jnp
import numpy as np

N_NODES = 10000
N_EDGES = 320000
D = 128
D_EDGE = 16


def setup_inputs(seed: int = 0) -> dict:
    key = jax.random.key(seed)
    ks = jax.random.split(key, 9)
    x = jax.random.normal(ks[0], (N_NODES, D), dtype=jnp.float32)
    edge_index = jax.random.randint(ks[1], (2, N_EDGES), 0, N_NODES, dtype=jnp.int32)
    edge_feature = jax.random.normal(ks[2], (N_EDGES, D_EDGE), dtype=jnp.float32)
    s = 1.0 / np.sqrt(D)
    # layer 0 (SAGEConv: lin_l on aggregated neighbors with bias, lin_r on self without bias)
    W_l0 = jax.random.normal(ks[3], (D, D), dtype=jnp.float32) * s
    b_l0 = jnp.zeros((D,), dtype=jnp.float32)
    W_r0 = jax.random.normal(ks[4], (D, D), dtype=jnp.float32) * s
    # layer 1
    W_l1 = jax.random.normal(ks[5], (D, D), dtype=jnp.float32) * s
    b_l1 = jnp.zeros((D,), dtype=jnp.float32)
    W_r1 = jax.random.normal(ks[6], (D, D), dtype=jnp.float32) * s
    return {"x": x, "edge_index": edge_index, "edge_feature": edge_feature,
            "W_l0": W_l0, "b_l0": b_l0, "W_r0": W_r0,
            "W_l1": W_l1, "b_l1": b_l1, "W_r1": W_r1}


def _sage_conv(x, edge_index, W_l, b_l, W_r):
    src = edge_index[0]
    dst = edge_index[1]
    msgs = jnp.take(x, src, axis=0)                       # gather source features
    agg = jax.ops.segment_sum(msgs, dst, num_segments=x.shape[0])  # aggr='sum' scatter-add
    return agg @ W_l.T + b_l + x @ W_r.T


def reference(x, edge_index, edge_feature, W_l0, b_l0, W_r0, W_l1, b_l1, W_r1):
    # layer 0 + activation + F.normalize (dropout is identity in eval)
    h = _sage_conv(x, edge_index, W_l0, b_l0, W_r0)
    h = jax.nn.relu(h)
    norm = jnp.linalg.norm(h, axis=-1, keepdims=True)
    h = h / jnp.maximum(norm, 1e-12)
    # last layer, no activation
    out = _sage_conv(h, edge_index, W_l1, b_l1, W_r1)
    return out

if __name__ == "__main__":
    import jax
    _d = setup_inputs()
    print(jax.jit(kernel)(*tuple(_d.values())))

</pallas_src>

<mosaic_0001>
#map = affine_map<(d0, d1) -> (0, 0)>
#map1 = affine_map<(d0, d1) -> (0, 0, 0)>
module attributes {stable_mosaic.version = 14 : i64} {
  func.func @seg(%arg0: i32, %arg1: i32, %arg2: memref<20000x64xf32, #tpu.memory_space<hbm>>, %arg3: memref<32x20000xi32, #tpu.memory_space<hbm>>, %arg4: memref<16x250x80xi32, #tpu.memory_space<hbm>>, %arg5: memref<2x10112x64xf32, #tpu.memory_space<hbm>>, %arg6: memref<20000xi32, #tpu.memory_space<vmem>>, %arg7: memref<250x80xi32, #tpu.memory_space<vmem>>, %arg8: memref<80x64xf32, #tpu.memory_space<vmem>>, %arg9: memref<80x64xf32, #tpu.memory_space<vmem>>, %arg10: memref<80x64xf32, #tpu.memory_space<vmem>>, %arg11: memref<80x64xf32, #tpu.memory_space<vmem>>, %arg12: memref<160x64xf32, #tpu.memory_space<vmem>>, %arg13: memref<10112x64xf32, #tpu.memory_space<vmem_shared>>, %arg14: memref<!tpu.dma_semaphore, #tpu.memory_space<semaphore_mem>>, %arg15: memref<!tpu.dma_semaphore, #tpu.memory_space<semaphore_mem>>, %arg16: memref<!tpu.dma_semaphore, #tpu.memory_space<semaphore_mem>>, %arg17: memref<!tpu.dma_semaphore, #tpu.memory_space<semaphore_mem>>, %arg18: memref<!tpu.dma_semaphore, #tpu.memory_space<semaphore_mem>>, %arg19: memref<!tpu.dma_semaphore, #tpu.memory_space<semaphore_mem>>, %arg20: memref<!tpu.dma_semaphore, #tpu.memory_space<semaphore_mem>>, %arg21: memref<!tpu.dma_semaphore, #tpu.memory_space<semaphore_mem>>) attributes {dimension_semantics = [#tpu.dimension_semantics<core_parallel>, #tpu.dimension_semantics<subcore_parallel>], iteration_bounds = array<i64: 2, 16>, scalar_prefetch = 0 : i64, scratch_operands = 16 : i64, tpu.core_type = #tpu.core_type<sc_vector_subcore>, window_params = [{transform_indices = #map}, {transform_indices = #map}, {transform_indices = #map1}, {transform_indices = #map1}]} {
    %mul3A = arith.constant 16 : i32
    %mul3A_0 = arith.muli %arg0, %mul3A : i32
    %add3A = arith.addi %mul3A_0, %arg1 : i32
    %dma_start3A = arith.constant 0 : i32
    %dma_start3A_1 = tpu.memref_slice %arg3[%add3A, %dma_start3A] : memref<32x20000xi32, #tpu.memory_space<hbm>> -> memref<1x20000xi32, #tpu.memory_space<hbm>>
    %dma_start3A_2 = tpu.memref_squeeze %dma_start3A_1 : memref<1x20000xi32, #tpu.memory_space<hbm>> -> memref<20000xi32, #tpu.memory_space<hbm>>
    %dma_start3A_3 = arith.constant 0 : i32
    %dma_start3A_4 = tpu.memref_slice %arg3[%add3A, %dma_start3A_3] : memref<32x20000xi32, #tpu.memory_space<hbm>> -> memref<1x20000xi32, #tpu.memory_space<hbm>>
    %dma_start3A_5 = tpu.memref_squeeze %dma_start3A_4 : memref<1x20000xi32, #tpu.memory_space<hbm>> -> memref<20000xi32, #tpu.memory_space<hbm>>
    tpu.enqueue_dma source(%dma_start3A_5 : memref<20000xi32, #tpu.memory_space<hbm>>) target(%arg6 : memref<20000xi32, #tpu.memory_space<vmem>>) target_semaphore(%arg14 : memref<!tpu.dma_semaphore, #tpu.memory_space<semaphore_mem>>)
    %dma_start3A_6 = arith.constant 0 : i32
    %dma_start3A_7 = arith.constant 0 : i32
    %dma_start3A_8 = tpu.memref_slice %arg4[%arg1, %dma_start3A_6, %dma_start3A_7] : memref<16x250x80xi32, #tpu.memory_space<hbm>> -> memref<1x250x80xi32, #tpu.memory_space<hbm>>
    %dma_start3A_9 = tpu.memref_squeeze %dma_start3A_8 : memref<1x250x80xi32, #tpu.memory_space<hbm>> -> memref<250x80xi32, #tpu.memory_space<hbm>>
    %dma_start3A_10 = arith.constant 0 : i32
    %dma_start3A_11 = arith.constant 0 : i32
    %dma_start3A_12 = tpu.memref_slice %arg4[%arg1, %dma_start3A_10, %dma_start3A_11] : memref<16x250x80xi32, #tpu.memory_space<hbm>> -> memref<1x250x80xi32, #tpu.memory_space<hbm>>
    %dma_start3A_13 = tpu.memref_squeeze %dma_start3A_12 : memref<1x250x80xi32, #tpu.memory_space<hbm>> -> memref<250x80xi32, #tpu.memory_space<hbm>>
    tpu.enqueue_dma source(%dma_start3A_13 : memref<250x80xi32, #tpu.memory_space<hbm>>) target(%arg7 : memref<250x80xi32, #tpu.memory_space<vmem>>) target_semaphore(%arg15 : memref<!tpu.dma_semaphore, #tpu.memory_space<semaphore_mem>>)
    %scan3A = arith.constant 0 : i32
    %scan3A_14 = arith.constant 0 : i32
    %scan3A_15 = arith.constant 160 : i32
    %scan3A_16 = arith.addi %scan3A_14, %scan3A_15 : i32
    %scan3A_17 = arith.constant 1 : i32
    scf.for %scan3A_74 = %scan3A_14 to %scan3A_16 step %scan3A_17  : i32 {
      %broadcast_in_dim3A = arith.constant 0.000000e+00 : f32
      %broadcast_in_dim3A_75 = vector.broadcast %broadcast_in_dim3A : f32 to vector<16xf32>
      %swap3A = arith.index_cast %scan3A_74 : i32 to index
      %swap3A_76 = arith.constant 0 : index
      %swap3A_77 = tpu.vector_load %arg12[%swap3A, %swap3A_76] {strides = array<i32>} : memref<160x64xf32, #tpu.memory_space<vmem>>, vector<1x16xf32>,
      %swap3A_78 = vector.shape_cast %swap3A_77 : vector<1x16xf32> to vector<16xf32>
      %swap3A_79 = vector.shape_cast %broadcast_in_dim3A_75 : vector<16xf32> to vector<1x16xf32>
      tpu.vector_store %arg12[%swap3A, %swap3A_76], %swap3A_79 {strides = array<i32>} : memref<160x64xf32, #tpu.memory_space<vmem>>, vector<1x16xf32>,
      %broadcast_in_dim3A_80 = arith.constant 0.000000e+00 : f32
      %broadcast_in_dim3A_81 = vector.broadcast %broadcast_in_dim3A_80 : f32 to vector<16xf32>
      %swap3A_82 = arith.index_cast %scan3A_74 : i32 to index
      %swap3A_83 = arith.constant 16 : index
      %swap3A_84 = tpu.vector_load %arg12[%swap3A_82, %swap3A_83] {strides = array<i32>} : memref<160x64xf32, #tpu.memory_space<vmem>>, vector<1x16xf32>,
      %swap3A_85 = vector.shape_cast %swap3A_84 : vector<1x16xf32> to vector<16xf32>
      %swap3A_86 = vector.shape_cast %broadcast_in_dim3A_81 : vector<16xf32> to vector<1x16xf32>
      tpu.vector_store %arg12[%swap3A_82, %swap3A_83], %swap3A_86 {strides = array<i32>} : memref<160x64xf32, #tpu.memory_space<vmem>>, vector<1x16xf32>,
      %broadcast_in_dim3A_87 = arith.constant 0.000000e+00 : f32
      %broadcast_in_dim3A_88 = vector.broadcast %broadcast_in_dim3A_87 : f32 to vector<16xf32>
      %swap3A_89 = arith.index_cast %scan3A_74 : i32 to index
      %swap3A_90 = arith.constant 32 : index
      %swap3A_91 = tpu.vector_load %arg12[%swap3A_89, %swap3A_90] {strides = array<i32>} : memref<160x64xf32, #tpu.memory_space<vmem>>, vector<1x16xf32>,
      %swap3A_92 = vector.shape_cast %swap3A_91 : vector<1x16xf32> to vector<16xf32>
      %swap3A_93 = vector.shape_cast %broadcast_in_dim3A_88 : vector<16xf32> to vector<1x16xf32>
      tpu.vector_store %arg12[%swap3A_89, %swap3A_90], %swap3A_93 {strides = array<i32>} : memref<160x64xf32, #tpu.memory_space<vmem>>, vector<1x16xf32>,
      %broadcast_in_dim3A_94 = arith.constant 0.000000e+00 : f32
      %broadcast_in_dim3A_95 = vector.broadcast %broadcast_in_dim3A_94 : f32 to vector<16xf32>
      %swap3A_96 = arith.index_cast %scan3A_74 : i32 to index
      %swap3A_97 = arith.constant 48 : index
      %swap3A_98 = tpu.vector_load %arg12[%swap3A_96, %swap3A_97] {strides = array<i32>} : memref<160x64xf32, #tpu.memory_space<vmem>>, vector<1x16xf32>,
      %swap3A_99 = vector.shape_cast %swap3A_98 : vector<1x16xf32> to vector<16xf32>
      %swap3A_100 = vector.shape_cast %broadcast_in_dim3A_95 : vector<16xf32> to vector<1x16xf32>
      tpu.vector_store %arg12[%swap3A_96, %swap3A_97], %swap3A_100 {strides = array<i32>} : memref<160x64xf32, #tpu.memory_space<vmem>>, vector<1x16xf32>,
    }
    %scan3A_18 = arith.constant 160 : i32
    %mul3A_19 = arith.constant 632 : i32
    %mul3A_20 = arith.muli %arg1, %mul3A_19 : i32
    %add3A_21 = arith.constant 0 : i32
    %add3A_22 = arith.addi %mul3A_20, %add3A_21 : i32
    "tpu.region"() ({
      %run_scoped3A = tpu.sem_alloc : memref<!tpu.dma_semaphore, #tpu.memory_space<semaphore_mem>>
      %dma_start3A_74 = arith.constant 0 : i32
      %dma_start3A_75 = arith.constant 0 : i32
      %dma_start3A_76 = tpu.memref_slice %arg12[%dma_start3A_74, %dma_start3A_75] : memref<160x64xf32, #tpu.memory_space<vmem>> -> memref<160x64xf32, #tpu.memory_space<vmem>>
      %dma_start3A_77 = arith.constant 0 : i32
      %dma_start3A_78 = tpu.memref_slice %arg13[%add3A_22, %dma_start3A_77] : memref<10112x64xf32, #tpu.memory_space<vmem_shared>> -> memref<160x64xf32, #tpu.memory_space<vmem_shared>>
      %dma_start3A_79 = arith.constant 0 : i32
      %dma_start3A_80 = tpu.memref_slice %arg13[%add3A_22, %dma_start3A_79] : memref<10112x64xf32, #tpu.memory_space<vmem_shared>> -> memref<160x64xf32, #tpu.memory_space<vmem_shared>>
      %dma_start3A_81 = arith.constant 0 : i32
      %dma_start3A_82 = arith.constant 0 : i32
      %dma_start3A_83 = tpu.memref_slice %arg12[%dma_start3A_81, %dma_start3A_82] : memref<160x64xf32, #tpu.memory_space<vmem>> -> memref<160x64xf32, #tpu.memory_space<vmem>>
      tpu.enqueue_dma source(%dma_start3A_83 : memref<160x64xf32, #tpu.memory_space<vmem>>) target(%dma_start3A_80 : memref<160x64xf32, #tpu.memory_space<vmem_shared>>) target_semaphore(%run_scoped3A : memref<!tpu.dma_semaphore, #tpu.memory_space<semaphore_mem>>)
      %dma_wait3A_84 = arith.constant 0 : i32
      %dma_wait3A_85 = arith.constant 0 : i32
      %dma_wait3A_86 = tpu.memref_slice %arg12[%dma_wait3A_84, %dma_wait3A_85] : memref<160x64xf32, #tpu.memory_space<vmem>> -> memref<160x64xf32, #tpu.memory_space<vmem>>
      %dma_wait3A_87 = arith.constant 0 : i32
      %dma_wait3A_88 = tpu.memref_slice %arg13[%add3A_22, %dma_wait3A_87] : memref<10112x64xf32, #tpu.memory_space<vmem_shared>> -> memref<160x64xf32, #tpu.memory_space<vmem_shared>>
      %dma_wait3A_89 = arith.constant 0 : i32
      %dma_wait3A_90 = tpu.memref_slice %arg13[%add3A_22, %dma_wait3A_89] : memref<10112x64xf32, #tpu.memory_space<vmem_shared>> -> memref<160x64xf32, #tpu.memory_space<vmem_shared>>
      %dma_wait3A_91 = arith.constant 0 : i32
      %dma_wait3A_92 = arith.constant 0 : i32
      %dma_wait3A_93 = tpu.memref_slice %arg12[%dma_wait3A_91, %dma_wait3A_92] : memref<160x64xf32, #tpu.memory_space<vmem>> -> memref<160x64xf32, #tpu.memory_space<vmem>>
      tpu.wait_dma2 semaphore(%run_scoped3A : memref<!tpu.dma_semaphore, #tpu.memory_space<semaphore_mem>>) src(%dma_wait3A_93 : memref<160x64xf32, #tpu.memory_space<vmem>>) dst(%dma_wait3A_90 : memref<160x64xf32, #tpu.memory_space<vmem_shared>>)
      tpu.yield
    }) : () -> ()
    %mul3A_23 = arith.constant 632 : i32
    %mul3A_24 = arith.muli %arg1, %mul3A_23 : i32
    %add3A_25 = arith.constant 160 : i32
    %add3A_26 = arith.addi %mul3A_24, %add3A_25 : i32
    "tpu.region"() ({
      %run_scoped3A = tpu.sem_alloc : memref<!tpu.dma_semaphore, #tpu.memory_space<semaphore_mem>>
      %dma_start3A_74 = arith.constant 0 : i32
      %dma_start3A_75 = arith.constant 0 : i32
      %dma_start3A_76 = tpu.memref_slice %arg12[%dma_start3A_74, %dma_start3A_75] : memref<160x64xf32, #tpu.memory_space<vmem>> -> memref<160x64xf32, #tpu.memory_space<vmem>>
      %dma_start3A_77 = arith.constant 0 : i32
      %dma_start3A_78 = tpu.memref_slice %arg13[%add3A_26, %dma_start3A_77] : memref<10112x64xf32, #tpu.memory_space<vmem_shared>> -> memref<160x64xf32, #tpu.memory_space<vmem_shared>>
      %dma_start3A_79 = arith.constant 0 : i32
      %dma_start3A_80 = tpu.memref_slice %arg13[%add3A_26, %dma_start3A_79] : memref<10112x64xf32, #tpu.memory_space<vmem_shared>> -> memref<160x64xf32, #tpu.memory_space<vmem_shared>>
      %dma_start3A_81 = arith.constant 0 : i32
      %dma_start3A_82 = arith.constant 0 : i32
      %dma_start3A_83 = tpu.memref_slice %arg12[%dma_start3A_81, %dma_start3A_82] : memref<160x64xf32, #tpu.memory_space<vmem>> -> memref<160x64xf32, #tpu.memory_space<vmem>>
      tpu.enqueue_dma source(%dma_start3A_83 : memref<160x64xf32, #tpu.memory_space<vmem>>) target(%dma_start3A_80 : memref<160x64xf32, #tpu.memory_space<vmem_shared>>) target_semaphore(%run_scoped3A : memref<!tpu.dma_semaphore, #tpu.memory_space<semaphore_mem>>)
      %dma_wait3A_84 = arith.constant 0 : i32
      %dma_wait3A_85 = arith.constant 0 : i32
      %dma_wait3A_86 = tpu.memref_slice %arg12[%dma_wait3A_84, %dma_wait3A_85] : memref<160x64xf32, #tpu.memory_space<vmem>> -> memref<160x64xf32, #tpu.memory_space<vmem>>
      %dma_wait3A_87 = arith.constant 0 : i32
      %dma_wait3A_88 = tpu.memref_slice %arg13[%add3A_26, %dma_wait3A_87] : memref<10112x64xf32, #tpu.memory_space<vmem_shared>> -> memref<160x64xf32, #tpu.memory_space<vmem_shared>>
      %dma_wait3A_89 = arith.constant 0 : i32
      %dma_wait3A_90 = tpu.memref_slice %arg13[%add3A_26, %dma_wait3A_89] : memref<10112x64xf32, #tpu.memory_space<vmem_shared>> -> memref<160x64xf32, #tpu.memory_space<vmem_shared>>
      %dma_wait3A_91 = arith.constant 0 : i32
      %dma_wait3A_92 = arith.constant 0 : i32
      %dma_wait3A_93 = tpu.memref_slice %arg12[%dma_wait3A_91, %dma_wait3A_92] : memref<160x64xf32, #tpu.memory_space<vmem>> -> memref<160x64xf32, #tpu.memory_space<vmem>>
      tpu.wait_dma2 semaphore(%run_scoped3A : memref<!tpu.dma_semaphore, #tpu.memory_space<semaphore_mem>>) src(%dma_wait3A_93 : memref<160x64xf32, #tpu.memory_space<vmem>>) dst(%dma_wait3A_90 : memref<160x64xf32, #tpu.memory_space<vmem_shared>>)
      tpu.yield
    }) : () -> ()
    %mul3A_27 = arith.constant 632 : i32
    %mul3A_28 = arith.muli %arg1, %mul3A_27 : i32
    %add3A_29 = arith.constant 320 : i32
    %add3A_30 = arith.addi %mul3A_28, %add3A_29 : i32
    "tpu.region"() ({
      %run_scoped3A = tpu.sem_alloc : memref<!tpu.dma_semaphore, #tpu.memory_space<semaphore_mem>>
      %dma_start3A_74 = arith.constant 0 : i32
      %dma_start3A_75 = arith.constant 0 : i32
      %dma_start3A_76 = tpu.memref_slice %arg12[%dma_start3A_74, %dma_start3A_75] : memref<160x64xf32, #tpu.memory_space<vmem>> -> memref<160x64xf32, #tpu.memory_space<vmem>>
      %dma_start3A_77 = arith.constant 0 : i32
      %dma_start3A_78 = tpu.memref_slice %arg13[%add3A_30, %dma_start3A_77] : memref<10112x64xf32, #tpu.memory_space<vmem_shared>> -> memref<160x64xf32, #tpu.memory_space<vmem_shared>>
      %dma_start3A_79 = arith.constant 0 : i32
      %dma_start3A_80 = tpu.memref_slice %arg13[%add3A_30, %dma_start3A_79] : memref<10112x64xf32, #tpu.memory_space<vmem_shared>> -> memref<160x64xf32, #tpu.memory_space<vmem_shared>>
      %dma_start3A_81 = arith.constant 0 : i32
      %dma_start3A_82 = arith.constant 0 : i32
      %dma_start3A_83 = tpu.memref_slice %arg12[%dma_start3A_81, %dma_start3A_82] : memref<160x64xf32, #tpu.memory_space<vmem>> -> memref<160x64xf32, #tpu.memory_space<vmem>>
      tpu.enqueue_dma source(%dma_start3A_83 : memref<160x64xf32, #tpu.memory_space<vmem>>) target(%dma_start3A_80 : memref<160x64xf32, #tpu.memory_space<vmem_shared>>) target_semaphore(%run_scoped3A : memref<!tpu.dma_semaphore, #tpu.memory_space<semaphore_mem>>)
      %dma_wait3A_84 = arith.constant 0 : i32
      %dma_wait3A_85 = arith.constant 0 : i32
      %dma_wait3A_86 = tpu.memref_slice %arg12[%dma_wait3A_84, %dma_wait3A_85] : memref<160x64xf32, #tpu.memory_space<vmem>> -> memref<160x64xf32, #tpu.memory_space<vmem>>
      %dma_wait3A_87 = arith.constant 0 : i32
      %dma_wait3A_88 = tpu.memref_slice %arg13[%add3A_30, %dma_wait3A_87] : memref<10112x64xf32, #tpu.memory_space<vmem_shared>> -> memref<160x64xf32, #tpu.memory_space<vmem_shared>>
      %dma_wait3A_89 = arith.constant 0 : i32
      %dma_wait3A_90 = tpu.memref_slice %arg13[%add3A_30, %dma_wait3A_89] : memref<10112x64xf32, #tpu.memory_space<vmem_shared>> -> memref<160x64xf32, #tpu.memory_space<vmem_shared>>
      %dma_wait3A_91 = arith.constant 0 : i32
      %dma_wait3A_92 = arith.constant 0 : i32
      %dma_wait3A_93 = tpu.memref_slice %arg12[%dma_wait3A_91, %dma_wait3A_92] : memref<160x64xf32, #tpu.memory_space<vmem>> -> memref<160x64xf32, #tpu.memory_space<vmem>>
      tpu.wait_dma2 semaphore(%run_scoped3A : memref<!tpu.dma_semaphore, #tpu.memory_space<semaphore_mem>>) src(%dma_wait3A_93 : memref<160x64xf32, #tpu.memory_space<vmem>>) dst(%dma_wait3A_90 : memref<160x64xf32, #tpu.memory_space<vmem_shared>>)
      tpu.yield
    }) : () -> ()
    %mul3A_31 = arith.constant 632 : i32
    %mul3A_32 = arith.muli %arg1, %mul3A_31 : i32
    %add3A_33 = arith.constant 480 : i32
    %add3A_34 = arith.addi %mul3A_32, %add3A_33 : i32
    "tpu.region"() ({
      %run_scoped3A = tpu.sem_alloc : memref<!tpu.dma_semaphore, #tpu.memory_space<semaphore_mem>>
      %dma_start3A_74 = arith.constant 0 : i32
      %dma_start3A_75 = arith.constant 0 : i32
      %dma_start3A_76 = tpu.memref_slice %arg12[%dma_start3A_74, %dma_start3A_75] : memref<160x64xf32, #tpu.memory_space<vmem>> -> memref<152x64xf32, #tpu.memory_space<vmem>>
      %dma_start3A_77 = arith.constant 0 : i32
      %dma_start3A_78 = tpu.memref_slice %arg13[%add3A_34, %dma_start3A_77] : memref<10112x64xf32, #tpu.memory_space<vmem_shared>> -> memref<152x64xf32, #tpu.memory_space<vmem_shared>>
      %dma_start3A_79 = arith.constant 0 : i32
      %dma_start3A_80 = tpu.memref_slice %arg13[%add3A_34, %dma_start3A_79] : memref<10112x64xf32, #tpu.memory_space<vmem_shared>> -> memref<152x64xf32, #tpu.memory_space<vmem_shared>>
      %dma_start3A_81 = arith.constant 0 : i32
      %dma_start3A_82 = arith.constant 0 : i32
      %dma_start3A_83 = tpu.memref_slice %arg12[%dma_start3A_81, %dma_start3A_82] : memref<160x64xf32, #tpu.memory_space<vmem>> -> memref<152x64xf32, #tpu.memory_space<vmem>>
      tpu.enqueue_dma source(%dma_start3A_83 : memref<152x64xf32, #tpu.memory_space<vmem>>) target(%dma_start3A_80 : memref<152x64xf32, #tpu.memory_space<vmem_shared>>) target_semaphore(%run_scoped3A : memref<!tpu.dma_semaphore, #tpu.memory_space<semaphore_mem>>)
      %dma_wait3A_84 = arith.constant 0 : i32
      %dma_wait3A_85 = arith.constant 0 : i32
      %dma_wait3A_86 = tpu.memref_slice %arg12[%dma_wait3A_84, %dma_wait3A_85] : memref<160x64xf32, #tpu.memory_space<vmem>> -> memref<152x64xf32, #tpu.memory_space<vmem>>
      %dma_wait3A_87 = arith.constant 0 : i32
      %dma_wait3A_88 = tpu.memref_slice %arg13[%add3A_34, %dma_wait3A_87] : memref<10112x64xf32, #tpu.memory_space<vmem_shared>> -> memref<152x64xf32, #tpu.memory_space<vmem_shared>>
      %dma_wait3A_89 = arith.constant 0 : i32
      %dma_wait3A_90 = tpu.memref_slice %arg13[%add3A_34, %dma_wait3A_89] : memref<10112x64xf32, #tpu.memory_space<vmem_shared>> -> memref<152x64xf32, #tpu.memory_space<vmem_shared>>
      %dma_wait3A_91 = arith.constant 0 : i32
      %dma_wait3A_92 = arith.constant 0 : i32
      %dma_wait3A_93 = tpu.memref_slice %arg12[%dma_wait3A_91, %dma_wait3A_92] : memref<160x64xf32, #tpu.memory_space<vmem>> -> memref<152x64xf32, #tpu.memory_space<vmem>>
      tpu.wait_dma2 semaphore(%run_scoped3A : memref<!tpu.dma_semaphore, #tpu.memory_space<semaphore_mem>>) src(%dma_wait3A_93 : memref<152x64xf32, #tpu.memory_space<vmem>>) dst(%dma_wait3A_90 : memref<152x64xf32, #tpu.memory_space<vmem_shared>>)
      tpu.yield
    }) : () -> ()
    %dma_wait3A = arith.constant 0 : i32
    %dma_wait3A_35 = tpu.memref_slice %arg3[%add3A, %dma_wait3A] : memref<32x20000xi32, #tpu.memory_space<hbm>> -> memref<1x20000xi32, #tpu.memory_space<hbm>>
    %dma_wait3A_36 = tpu.memref_squeeze %dma_wait3A_35 : memref<1x20000xi32, #tpu.memory_space<hbm>> -> memref<20000xi32, #tpu.memory_space<hbm>>
    %dma_wait3A_37 = arith.constant 0 : i32
    %dma_wait3A_38 = tpu.memref_slice %arg3[%add3A, %dma_wait3A_37] : memref<32x20000xi32, #tpu.memory_space<hbm>> -> memref<1x20000xi32, #tpu.memory_space<hbm>>
    %dma_wait3A_39 = tpu.memref_squeeze %dma_wait3A_38 : memref<1x20000xi32, #tpu.memory_space<hbm>> -> memref<20000xi32, #tpu.memory_space<hbm>>
    tpu.wait_dma2 semaphore(%arg14 : memref<!tpu.dma_semaphore, #tpu.memory_space<semaphore_mem>>) src(%dma_wait3A_39 : memref<20000xi32, #tpu.memory_space<hbm>>) dst(%arg6 : memref<20000xi32, #tpu.memory_space<vmem>>)
    %dma_wait3A_40 = arith.constant 0 : i32
    %dma_wait3A_41 = arith.constant 0 : i32
    %dma_wait3A_42 = tpu.memref_slice %arg4[%arg1, %dma_wait3A_40, %dma_wait3A_41] : memref<16x250x80xi32, #tpu.memory_space<hbm>> -> memref<1x250x80xi32, #tpu.memory_space<hbm>>
    %dma_wait3A_43 = tpu.memref_squeeze %dma_wait3A_42 : memref<1x250x80xi32, #tpu.memory_space<hbm>> -> memref<250x80xi32, #tpu.memory_space<hbm>>
    %dma_wait3A_44 = arith.constant 0 : i32
    %dma_wait3A_45 = arith.constant 0 : i32
    %dma_wait3A_46 = tpu.memref_slice %arg4[%arg1, %dma_wait3A_44, %dma_wait3A_45] : memref<16x250x80xi32, #tpu.memory_space<hbm>> -> memref<1x250x80xi32, #tpu.memory_space<hbm>>
    %dma_wait3A_47 = tpu.memref_squeeze %dma_wait3A_46 : memref<1x250x80xi32, #tpu.memory_space<hbm>> -> memref<250x80xi32, #tpu.memory_space<hbm>>
    tpu.wait_dma2 semaphore(%arg15 : memref<!tpu.dma_semaphore, #tpu.memory_space<semaphore_mem>>) src(%dma_wait3A_47 : memref<250x80xi32, #tpu.memory_space<hbm>>) dst(%arg7 : memref<250x80xi32, #tpu.memory_space<vmem>>)
    %barrier3A = arith.constant 0 : index
    tpu.barrier barrier_id(%barrier3A)
    %dma_start3A_48 = arith.constant 0 : i32
    %dma_start3A_49 = tpu.memref_slice %arg6[%dma_start3A_48] : memref<20000xi32, #tpu.memory_space<vmem>> -> memref<80xi32, #tpu.memory_space<vmem>>
    %dma_start3A_50 = arith.constant 0 : i32
    %dma_start3A_51 = arith.constant 0 : i32
    %dma_start3A_52 = tpu.memref_slice %arg2[%dma_start3A_50, %dma_start3A_51] : memref<20000x64xf32, #tpu.memory_space<hbm>> -> memref<20000x64xf32, #tpu.memory_space<hbm>>
    tpu.enqueue_indirect_dma source(%dma_start3A_52 : memref<20000x64xf32, #tpu.memory_space<hbm>>) target(%arg8 : memref<80x64xf32, #tpu.memory_space<vmem>>) offsets(%dma_start3A_49 : memref<80xi32, #tpu.memory_space<vmem>>) semaphore(%arg14 : memref<!tpu.dma_semaphore, #tpu.memory_space<semaphore_mem>>)
    %dma_start3A_53 = arith.constant 80 : i32
    %dma_start3A_54 = tpu.memref_slice %arg6[%dma_start3A_53] : memref<20000xi32, #tpu.memory_space<vmem>> -> memref<80xi32, #tpu.memory_space<vmem>>
    %dma_start3A_55 = arith.constant 0 : i32
    %dma_start3A_56 = arith.constant 0 : i32
    %dma_start3A_57 = tpu.memref_slice %arg2[%dma_start3A_55, %dma_start3A_56] : memref<20000x64xf32, #tpu.memory_space<hbm>> -> memref<20000x64xf32, #tpu.memory_space<hbm>>
    tpu.enqueue_indirect_dma source(%dma_start3A_57 : memref<20000x64xf32, #tpu.memory_space<hbm>>) target(%arg9 : memref<80x64xf32, #tpu.memory_space<vmem>>) offsets(%dma_start3A_54 : memref<80xi32, #tpu.memory_space<vmem>>) semaphore(%arg15 : memref<!tpu.dma_semaphore, #tpu.memory_space<semaphore_mem>>)
    %dma_start3A_58 = arith.constant 160 : i32
    %dma_start3A_59 = tpu.memref_slice %arg6[%dma_start3A_58] : memref<20000xi32, #tpu.memory_space<vmem>> -> memref<80xi32, #tpu.memory_space<vmem>>
    %dma_start3A_60 = arith.constant 0 : i32
    %dma_start3A_61 = arith.constant 0 : i32
    %dma_start3A_62 = tpu.memref_slice %arg2[%dma_start3A_60, %dma_start3A_61] : memref<20000x64xf32, #tpu.memory_space<hbm>> -> memref<20000x64xf32, #tpu.memory_space<hbm>>
    tpu.enqueue_indirect_dma source(%dma_start3A_62 : memref<20000x64xf32, #tpu.memory_space<hbm>>) target(%arg10 : memref<80x64xf32, #tpu.memory_space<vmem>>) offsets(%dma_start3A_59 : memref<80xi32, #tpu.memory_space<vmem>>) semaphore(%arg16 : memref<!tpu.dma_semaphore, #tpu.memory_space<semaphore_mem>>)
    %scan3A_63 = arith.constant 0 : i32
    %scan3A_64 = arith.constant 0 : i32
    %scan3A_65 = arith.constant 63 : i32
    %scan3A_66 = arith.addi %scan3A_64, %scan3A_65 : i32
    %scan3A_67 = arith.constant 1 : i32
    scf.for %scan3A_74 = %scan3A_64 to %scan3A_66 step %scan3A_67  : i32 {
      %mul3A_75 = arith.constant 4 : i32
      %mul3A_76 = arith.muli %mul3A_75, %scan3A_74 : i32
      %add3A_77 = arith.constant 0 : i32
      %add3A_78 = arith.addi %mul3A_76, %add3A_77 : i32
      %lt3A = arith.constant 250 : i32
      %lt3A_79 = arith.cmpi slt, %add3A_78, %lt3A : i32
      %convert_element_type3A = arith.extui %lt3A_79 : i1 to i32
      %cond3A = arith.constant 0 : i32
      %cond3A_80 = arith.cmpi ne, %convert_element_type3A, %cond3A : i32
      scf.if %cond3A_80 {
        %mul3A_166 = arith.constant 80 : i32
        %mul3A_167 = arith.muli %add3A_78, %mul3A_166 : i32
        %dma_wait3A_168 = tpu.memref_slice %arg6[%mul3A_167] : memref<20000xi32, #tpu.memory_space<vmem>> -> memref<80xi32, #tpu.memory_space<vmem>>
        %dma_wait3A_169 = arith.constant 0 : i32
        %dma_wait3A_170 = arith.constant 0 : i32
        %dma_wait3A_171 = tpu.memref_slice %arg2[%dma_wait3A_169, %dma_wait3A_170] : memref<20000x64xf32, #tpu.memory_space<hbm>> -> memref<20000x64xf32, #tpu.memory_space<hbm>>
        tpu.wait_indirect_dma semaphore(%arg14 : memref<!tpu.dma_semaphore, #tpu.memory_space<semaphore_mem>>) src(%dma_wait3A_171 : memref<20000x64xf32, #tpu.memory_space<hbm>>) dst(%arg8 : memref<80x64xf32, #tpu.memory_space<vmem>>)
        %dma_start3A_172 = arith.constant 0 : i32
        %dma_start3A_173 = tpu.memref_slice %arg7[%add3A_78, %dma_start3A_172] : memref<250x80xi32, #tpu.memory_space<vmem>> -> memref<1x80xi32, #tpu.memory_space<vmem>>
        %dma_start3A_174 = tpu.memref_squeeze %dma_start3A_173 : memref<1x80xi32, #tpu.memory_space<vmem>> -> memref<80xi32, #tpu.memory_space<vmem>>
        %dma_start3A_175 = arith.constant 0 : i32
        %dma_start3A_176 = arith.constant 0 : i32
        %dma_start3A_177 = tpu.memref_slice %arg13[%dma_start3A_175, %dma_start3A_176] : memref<10112x64xf32, #tpu.memory_space<vmem_shared>> -> memref<10112x64xf32, #tpu.memory_space<vmem_shared>>
        tpu.enqueue_indirect_dma source(%arg8 : memref<80x64xf32, #tpu.memory_space<vmem>>) target(%dma_start3A_177 : memref<10112x64xf32, #tpu.memory_space<vmem_shared>>) offsets(%dma_start3A_174 : memref<80xi32, #tpu.memory_space<vmem>>) semaphore(%arg18 : memref<!tpu.dma_semaphore, #tpu.memory_space<semaphore_mem>>) {add = true}
      } else {
      }
      %ge3A = arith.constant 1 : i32
      %ge3A_81 = arith.cmpi sge, %add3A_78, %ge3A : i32
      %lt3A_82 = arith.constant 251 : i32
      %lt3A_83 = arith.cmpi slt, %add3A_78, %lt3A_82 : i32
      %and3A = arith.andi %ge3A_81, %lt3A_83 : i1
      %convert_element_type3A_84 = arith.extui %and3A : i1 to i32
      %cond3A_85 = arith.constant 0 : i32
      %cond3A_86 = arith.cmpi ne, %convert_element_type3A_84, %cond3A_85 : i32
      scf.if %cond3A_86 {
        %sub3A = arith.constant 1 : i32
        %sub3A_166 = arith.subi %add3A_78, %sub3A : i32
        %dma_wait3A_167 = arith.constant 0 : i32
        %dma_wait3A_168 = tpu.memref_slice %arg7[%sub3A_166, %dma_wait3A_167] : memref<250x80xi32, #tpu.memory_space<vmem>> -> memref<1x80xi32, #tpu.memory_space<vmem>>
        %dma_wait3A_169 = tpu.memref_squeeze %dma_wait3A_168 : memref<1x80xi32, #tpu.memory_space<vmem>> -> memref<80xi32, #tpu.memory_space<vmem>>
        %dma_wait3A_170 = arith.constant 0 : i32
        %dma_wait3A_171 = arith.constant 0 : i32
        %dma_wait3A_172 = tpu.memref_slice %arg13[%dma_wait3A_170, %dma_wait3A_171] : memref<10112x64xf32, #tpu.memory_space<vmem_shared>> -> memref<10112x64xf32, #tpu.memory_space<vmem_shared>>
        tpu.wait_indirect_dma semaphore(%arg21 : memref<!tpu.dma_semaphore, #tpu.memory_space<semaphore_mem>>) src(%arg11 : memref<80x64xf32, #tpu.memory_space<vmem>>) dst(%dma_wait3A_172 : memref<10112x64xf32, #tpu.memory_space<vmem_shared>>)
      } else {
      }
      %add3A_87 = arith.constant 3 : i32
      %add3A_88 = arith.addi %add3A_78, %add3A_87 : i32
      %lt3A_89 = arith.constant 250 : i32
      %lt3A_90 = arith.cmpi slt, %add3A_88, %lt3A_89 : i32
      %convert_element_type3A_91 = arith.extui %lt3A_90 : i1 to i32
      %cond3A_92 = arith.constant 0 : i32
      %cond3A_93 = arith.cmpi ne, %convert_element_type3A_91, %cond3A_92 : i32
      scf.if %cond3A_93 {
        %add3A_166 = arith.constant 3 : i32
        %add3A_167 = arith.addi %add3A_78, %add3A_166 : i32
        %mul3A_168 = arith.constant 80 : i32
        %mul3A_169 = arith.muli %add3A_167, %mul3A_168 : i32
        %dma_start3A_170 = tpu.memref_slice %arg6[%mul3A_169] : memref<20000xi32, #tpu.memory_space<vmem>> -> memref<80xi32, #tpu.memory_space<vmem>>
        %dma_start3A_171 = arith.constant 0 : i32
        %dma_start3A_172 = arith.constant 0 : i32
        %dma_start3A_173 = tpu.memref_slice %arg2[%dma_start3A_171, %dma_start3A_172] : memref<20000x64xf32, #tpu.memory_space<hbm>> -> memref<20000x64xf32, #tpu.memory_space<hbm>>
        tpu.enqueue_indirect_dma source(%dma_start3A_173 : memref<20000x64xf32, #tpu.memory_space<hbm>>) target(%arg11 : memref<80x64xf32, #tpu.memory_space<vmem>>) offsets(%dma_start3A_170 : memref<80xi32, #tpu.memory_space<vmem>>) semaphore(%arg17 : memref<!tpu.dma_semaphore, #tpu.memory_space<semaphore_mem>>)
      } else {
      }
      %mul3A_94 = arith.constant 4 : i32
      %mul3A_95 = arith.muli %mul3A_94, %scan3A_74 : i32
      %add3A_96 = arith.constant 1 : i32
      %add3A_97 = arith.addi %mul3A_95, %add3A_96 : i32
      %lt3A_98 = arith.constant 250 : i32
      %lt3A_99 = arith.cmpi slt, %add3A_97, %lt3A_98 : i32
      %convert_element_type3A_100 = arith.extui %lt3A_99 : i1 to i32
      %cond3A_101 = arith.constant 0 : i32
      %cond3A_102 = arith.cmpi ne, %convert_element_type3A_100, %cond3A_101 : i32
      scf.if %cond3A_102 {
        %mul3A_166 = arith.constant 80 : i32
        %mul3A_167 = arith.muli %add3A_97, %mul3A_166 : i32
        %dma_wait3A_168 = tpu.memref_slice %arg6[%mul3A_167] : memref<20000xi32, #tpu.memory_space<vmem>> -> memref<80xi32, #tpu.memory_space<vmem>>
        %dma_wait3A_169 = arith.constant 0 : i32
        %dma_wait3A_170 = arith.constant 0 : i32
        %dma_wait3A_171 = tpu.memref_slice %arg2[%dma_wait3A_169, %dma_wait3A_170] : memref<20000x64xf32, #tpu.memory_space<hbm>> -> memref<20000x64xf32, #tpu.memory_space<hbm>>
        tpu.wait_indirect_dma semaphore(%arg15 : memref<!tpu.dma_semaphore, #tpu.memory_space<semaphore_mem>>) src(%dma_wait3A_171 : memref<20000x64xf32, #tpu.memory_space<hbm>>) dst(%arg9 : memref<80x64xf32, #tpu.memory_space<vmem>>)
        %dma_start3A_172 = arith.constant 0 : i32
        %dma_start3A_173 = tpu.memref_slice %arg7[%add3A_97, %dma_start3A_172] : memref<250x80xi32, #tpu.memory_space<vmem>> -> memref<1x80xi32, #tpu.memory_space<vmem>>
        %dma_start3A_174 = tpu.memref_squeeze %dma_start3A_173 : memref<1x80xi32, #tpu.memory_space<vmem>> -> memref<80xi32, #tpu.memory_space<vmem>>
        %dma_start3A_175 = arith.constant 0 : i32
        %dma_start3A_176 = arith.constant 0 : i32
        %dma_start3A_177 = tpu.memref_slice %arg13[%dma_start3A_175, %dma_start3A_176] : memref<10112x64xf32, #tpu.memory_space<vmem_shared>> -> memref<10112x64xf32, #tpu.memory_space<vmem_shared>>
        tpu.enqueue_indirect_dma source(%arg9 : memref<80x64xf32, #tpu.memory_space<vmem>>) target(%dma_start3A_177 : memref<10112x64xf32, #tpu.memory_space<vmem_shared>>) offsets(%dma_start3A_174 : memref<80xi32, #tpu.memory_space<vmem>>) semaphore(%arg19 : memref<!tpu.dma_semaphore, #tpu.memory_space<semaphore_mem>>) {add = true}
      } else {
      }
      %ge3A_103 = arith.constant 1 : i32
      %ge3A_104 = arith.cmpi sge, %add3A_97, %ge3A_103 : i32
      %lt3A_105 = arith.constant 251 : i32
      %lt3A_106 = arith.cmpi slt, %add3A_97, %lt3A_105 : i32
      %and3A_107 = arith.andi %ge3A_104, %lt3A_106 : i1
      %convert_element_type3A_108 = arith.extui %and3A_107 : i1 to i32
      %cond3A_109 = arith.constant 0 : i32
      %cond3A_110 = arith.cmpi ne, %convert_element_type3A_108, %cond3A_109 : i32
      scf.if %cond3A_110 {
        %sub3A = arith.constant 1 : i32
        %sub3A_166 = arith.subi %add3A_97, %sub3A : i32
        %dma_wait3A_167 = arith.constant 0 : i32
        %dma_wait3A_168 = tpu.memref_slice %arg7[%sub3A_166, %dma_wait3A_167] : memref<250x80xi32, #tpu.memory_space<vmem>> -> memref<1x80xi32, #tpu.memory_space<vmem>>
        %dma_wait3A_169 = tpu.memref_squeeze %dma_wait3A_168 : memref<1x80xi32, #tpu.memory_space<vmem>> -> memref<80xi32, #tpu.memory_space<vmem>>
        %dma_wait3A_170 = arith.constant 0 : i32
        %dma_wait3A_171 = arith.constant 0 : i32
        %dma_wait3A_172 = tpu.memref_slice %arg13[%dma_wait3A_170, %dma_wait3A_171] : memref<10112x64xf32, #tpu.memory_space<vmem_shared>> -> memref<10112x64xf32, #tpu.memory_space<vmem_shared>>
        tpu.wait_indirect_dma semaphore(%arg18 : memref<!tpu.dma_semaphore, #tpu.memory_space<semaphore_mem>>) src(%arg8 : memref<80x64xf32, #tpu.memory_space<vmem>>) dst(%dma_wait3A_172 : memref<10112x64xf32, #tpu.memory_space<vmem_shared>>)
      } else {
      }
      %add3A_111 = arith.constant 3 : i32
      %add3A_112 = arith.addi %add3A_97, %add3A_111 : i32
      %lt3A_113 = arith.constant 250 : i32
      %lt3A_114 = arith.cmpi slt, %add3A_112, %lt3A_113 : i32
      %convert_element_type3A_115 = arith.extui %lt3A_114 : i1 to i32
      %cond3A_116 = arith.constant 0 : i32
      %cond3A_117 = arith.cmpi ne, %convert_element_type3A_115, %cond3A_116 : i32
      scf.if %cond3A_117 {
        %add3A_166 = arith.constant 3 : i32
        %add3A_167 = arith.addi %add3A_97, %add3A_166 : i32
        %mul3A_168 = arith.constant 80 : i32
        %mul3A_169 = arith.muli %add3A_167, %mul3A_168 : i32
        %dma_start3A_170 = tpu.memref_slice %arg6[%mul3A_169] : memref<20000xi32, #tpu.memory_space<vmem>> -> memref<80xi32, #tpu.memory_space<vmem>>
        %dma_start3A_171 = arith.constant 0 : i32
        %dma_start3A_172 = arith.constant 0 : i32
        %dma_start3A_173 = tpu.memref_slice %arg2[%dma_start3A_171, %dma_start3A_172] : memref<20000x64xf32, #tpu.memory_space<hbm>> -> memref<20000x64xf32, #tpu.memory_space<hbm>>
        tpu.enqueue_indirect_dma source(%dma_start3A_173 : memref<20000x64xf32, #tpu.memory_space<hbm>>) target(%arg8 : memref<80x64xf32, #tpu.memory_space<vmem>>) offsets(%dma_start3A_170 : memref<80xi32, #tpu.memory_space<vmem>>) semaphore(%arg14 : memref<!tpu.dma_semaphore, #tpu.memory_space<semaphore_mem>>)
      } else {
      }
      %mul3A_118 = arith.constant 4 : i32
      %mul3A_119 = arith.muli %mul3A_118, %scan3A_74 : i32
      %add3A_120 = arith.constant 2 : i32
      %add3A_121 = arith.addi %mul3A_119, %add3A_120 : i32
      %lt3A_122 = arith.constant 250 : i32
      %lt3A_123 = arith.cmpi slt, %add3A_121, %lt3A_122 : i32
      %convert_element_type3A_124 = arith.extui %lt3A_123 : i1 to i32
      %cond3A_125 = arith.constant 0 : i32
      %cond3A_126 = arith.cmpi ne, %convert_element_type3A_124, %cond3A_125 : i32
      scf.if %cond3A_126 {
        %mul3A_166 = arith.constant 80 : i32
        %mul3A_167 = arith.muli %add3A_121, %mul3A_166 : i32
        %dma_wait3A_168 = tpu.memref_slice %arg6[%mul3A_167] : memref<20000xi32, #tpu.memory_space<vmem>> -> memref<80xi32, #tpu.memory_space<vmem>>
        %dma_wait3A_169 = arith.constant 0 : i32
        %dma_wait3A_170 = arith.constant 0 : i32
        %dma_wait3A_171 = tpu.memref_slice %arg2[%dma_wait3A_169, %dma_wait3A_170] : memref<20000x64xf32, #tpu.memory_space<hbm>> -> memref<20000x64xf32, #tpu.memory_space<hbm>>
        tpu.wait_indirect_dma semaphore(%arg16 : memref<!tpu.dma_semaphore, #tpu.memory_space<semaphore_mem>>) src(%dma_wait3A_171 : memref<20000x64xf32, #tpu.memory_space<hbm>>) dst(%arg10 : memref<80x64xf32, #tpu.memory_space<vmem>>)
        %dma_start3A_172 = arith.constant 0 : i32
        %dma_start3A_173 = tpu.memref_slice %arg7[%add3A_121, %dma_start3A_172] : memref<250x80xi32, #tpu.memory_space<vmem>> -> memref<1x80xi32, #tpu.memory_space<vmem>>
        %dma_start3A_174 = tpu.memref_squeeze %dma_start3A_173 : memref<1x80xi32, #tpu.memory_space<vmem>> -> memref<80xi32, #tpu.memory_space<vmem>>
        %dma_start3A_175 = arith.constant 0 : i32
        %dma_start3A_176 = arith.constant 0 : i32
        %dma_start3A_177 = tpu.memref_slice %arg13[%dma_start3A_175, %dma_start3A_176] : memref<10112x64xf32, #tpu.memory_space<vmem_shared>> -> memref<10112x64xf32, #tpu.memory_space<vmem_shared>>
        tpu.enqueue_indirect_dma source(%arg10 : memref<80x64xf32, #tpu.memory_space<vmem>>) target(%dma_start3A_177 : memref<10112x64xf32, #tpu.memory_space<vmem_shared>>) offsets(%dma_start3A_174 : memref<80xi32, #tpu.memory_space<vmem>>) semaphore(%arg20 : memref<!tpu.dma_semaphore, #tpu.memory_space<semaphore_mem>>) {add = true}
      } else {
      }
      %ge3A_127 = arith.constant 1 : i32
      %ge3A_128 = arith.cmpi sge, %add3A_121, %ge3A_127 : i32
      %lt3A_129 = arith.constant 251 : i32
      %lt3A_130 = arith.cmpi slt, %add3A_121, %lt3A_129 : i32
      %and3A_131 = arith.andi %ge3A_128, %lt3A_130 : i1
      %convert_element_type3A_132 = arith.extui %and3A_131 : i1 to i32
      %cond3A_133 = arith.constant 0 : i32
      %cond3A_134 = arith.cmpi ne, %convert_element_type3A_132, %cond3A_133 : i32
      scf.if %cond3A_134 {
        %sub3A = arith.constant 1 : i32
        %sub3A_166 = arith.subi %add3A_121, %sub3A : i32
        %dma_wait3A_167 = arith.constant 0 : i32
        %dma_wait3A_168 = tpu.memref_slice %arg7[%sub3A_166, %dma_wait3A_167] : memref<250x80xi32, #tpu.memory_space<vmem>> -> memref<1x80xi32, #tpu.memory_space<vmem>>
        %dma_wait3A_169 = tpu.memref_squeeze %dma_wait3A_168 : memref<1x80xi32, #tpu.memory_space<vmem>> -> memref<80xi32, #tpu.memory_space<vmem>>
        %dma_wait3A_170 = arith.constant 0 : i32
        %dma_wait3A_171 = arith.constant 0 : i32
        %dma_wait3A_172 = tpu.memref_slice %arg13[%dma_wait3A_170, %dma_wait3A_171] : memref<10112x64xf32, #tpu.memory_space<vmem_shared>> -> memref<10112x64xf32, #tpu.memory_space<vmem_shared>>
        tpu.wait_indirect_dma semaphore(%arg19 : memref<!tpu.dma_semaphore, #tpu.memory_space<semaphore_mem>>) src(%arg9 : memref<80x64xf32, #tpu.memory_space<vmem>>) dst(%dma_wait3A_172 : memref<10112x64xf32, #tpu.memory_space<vmem_shared>>)
      } else {
      }
      %add3A_135 = arith.constant 3 : i32
      %add3A_136 = arith.addi %add3A_121, %add3A_135 : i32
      %lt3A_137 = arith.constant 250 : i32
      %lt3A_138 = arith.cmpi slt, %add3A_136, %lt3A_137 : i32
      %convert_element_type3A_139 = arith.extui %lt3A_138 : i1 to i32
      %cond3A_140 = arith.constant 0 : i32
      %cond3A_141 = arith.cmpi ne, %convert_element_type3A_139, %cond3A_140 : i32
      scf.if %cond3A_141 {
        %add3A_166 = arith.constant 3 : i32
        %add3A_167 = arith.addi %add3A_121, %add3A_166 : i32
        %mul3A_168 = arith.constant 80 : i32
        %mul3A_169 = arith.muli %add3A_167, %mul3A_168 : i32
        %dma_start3A_170 = tpu.memref_slice %arg6[%mul3A_169] : memref<20000xi32, #tpu.memory_space<vmem>> -> memref<80xi32, #tpu.memory_space<vmem>>
        %dma_start3A_171 = arith.constant 0 : i32
        %dma_start3A_172 = arith.constant 0 : i32
        %dma_start3A_173 = tpu.memref_slice %arg2[%dma_start3A_171, %dma_start3A_172] : memref<20000x64xf32, #tpu.memory_space<hbm>> -> memref<20000x64xf32, #tpu.memory_space<hbm>>
        tpu.enqueue_indirect_dma source(%dma_start3A_173 : memref<20000x64xf32, #tpu.memory_space<hbm>>) target(%arg9 : memref<80x64xf32, #tpu.memory_space<vmem>>) offsets(%dma_start3A_170 : memref<80xi32, #tpu.memory_space<vmem>>) semaphore(%arg15 : memref<!tpu.dma_semaphore, #tpu.memory_space<semaphore_mem>>)
      } else {
      }
      %mul3A_142 = arith.constant 4 : i32
      %mul3A_143 = arith.muli %mul3A_142, %scan3A_74 : i32
      %add3A_144 = arith.constant 3 : i32
      %add3A_145 = arith.addi %mul3A_143, %add3A_144 : i32
      %lt3A_146 = arith.constant 250 : i32
      %lt3A_147 = arith.cmpi slt, %add3A_145, %lt3A_146 : i32
      %convert_element_type3A_148 = arith.extui %lt3A_147 : i1 to i32
      %cond3A_149 = arith.constant 0 : i32
      %cond3A_150 = arith.cmpi ne, %convert_element_type3A_148, %cond3A_149 : i32
      scf.if %cond3A_150 {
        %mul3A_166 = arith.constant 80 : i32
        %mul3A_167 = arith.muli %add3A_145, %mul3A_166 : i32
        %dma_wait3A_168 = tpu.memref_slice %arg6[%mul3A_167] : memref<20000xi32, #tpu.memory_space<vmem>> -> memref<80xi32, #tpu.memory_space<vmem>>
        %dma_wait3A_169 = arith.constant 0 : i32
        %dma_wait3A_170 = arith.constant 0 : i32
        %dma_wait3A_171 = tpu.memref_slice %arg2[%dma_wait3A_169, %dma_wait3A_170] : memref<20000x64xf32, #tpu.memory_space<hbm>> -> memref<20000x64xf32, #tpu.memory_space<hbm>>
        tpu.wait_indirect_dma semaphore(%arg17 : memref<!tpu.dma_semaphore, #tpu.memory_space<semaphore_mem>>) src(%dma_wait3A_171 : memref<20000x64xf32, #tpu.memory_space<hbm>>) dst(%arg11 : memref<80x64xf32, #tpu.memory_space<vmem>>)
        %dma_start3A_172 = arith.constant 0 : i32
        %dma_start3A_173 = tpu.memref_slice %arg7[%add3A_145, %dma_start3A_172] : memref<250x80xi32, #tpu.memory_space<vmem>> -> memref<1x80xi32, #tpu.memory_space<vmem>>
        %dma_start3A_174 = tpu.memref_squeeze %dma_start3A_173 : memref<1x80xi32, #tpu.memory_space<vmem>> -> memref<80xi32, #tpu.memory_space<vmem>>
        %dma_start3A_175 = arith.constant 0 : i32
        %dma_start3A_176 = arith.constant 0 : i32
        %dma_start3A_177 = tpu.memref_slice %arg13[%dma_start3A_175, %dma_start3A_176] : memref<10112x64xf32, #tpu.memory_space<vmem_shared>> -> memref<10112x64xf32, #tpu.memory_space<vmem_shared>>
        tpu.enqueue_indirect_dma source(%arg11 : memref<80x64xf32, #tpu.memory_space<vmem>>) target(%dma_start3A_177 : memref<10112x64xf32, #tpu.memory_space<vmem_shared>>) offsets(%dma_start3A_174 : memref<80xi32, #tpu.memory_space<vmem>>) semaphore(%arg21 : memref<!tpu.dma_semaphore, #tpu.memory_space<semaphore_mem>>) {add = true}
      } else {
      }
      %ge3A_151 = arith.constant 1 : i32
      %ge3A_152 = arith.cmpi sge, %add3A_145, %ge3A_151 : i32
      %lt3A_153 = arith.constant 251 : i32
      %lt3A_154 = arith.cmpi slt, %add3A_145, %lt3A_153 : i32
      %and3A_155 = arith.andi %ge3A_152, %lt3A_154 : i1
      %convert_element_type3A_156 = arith.extui %and3A_155 : i1 to i32
      %cond3A_157 = arith.constant 0 : i32
      %cond3A_158 = arith.cmpi ne, %convert_element_type3A_156, %cond3A_157 : i32
      scf.if %cond3A_158 {
        %sub3A = arith.constant 1 : i32
        %sub3A_166 = arith.subi %add3A_145, %sub3A : i32
        %dma_wait3A_167 = arith.constant 0 : i32
        %dma_wait3A_168 = tpu.memref_slice %arg7[%sub3A_166, %dma_wait3A_167] : memref<250x80xi32, #tpu.memory_space<vmem>> -> memref<1x80xi32, #tpu.memory_space<vmem>>
        %dma_wait3A_169 = tpu.memref_squeeze %dma_wait3A_168 : memref<1x80xi32, #tpu.memory_space<vmem>> -> memref<80xi32, #tpu.memory_space<vmem>>
        %dma_wait3A_170 = arith.constant 0 : i32
        %dma_wait3A_171 = arith.constant 0 : i32
        %dma_wait3A_172 = tpu.memref_slice %arg13[%dma_wait3A_170, %dma_wait3A_171] : memref<10112x64xf32, #tpu.memory_space<vmem_shared>> -> memref<10112x64xf32, #tpu.memory_space<vmem_shared>>
        tpu.wait_indirect_dma semaphore(%arg20 : memref<!tpu.dma_semaphore, #tpu.memory_space<semaphore_mem>>) src(%arg10 : memref<80x64xf32, #tpu.memory_space<vmem>>) dst(%dma_wait3A_172 : memref<10112x64xf32, #tpu.memory_space<vmem_shared>>)
      } else {
      }
      %add3A_159 = arith.constant 3 : i32
      %add3A_160 = arith.addi %add3A_145, %add3A_159 : i32
      %lt3A_161 = arith.constant 250 : i32
      %lt3A_162 = arith.cmpi slt, %add3A_160, %lt3A_161 : i32
      %convert_element_type3A_163 = arith.extui %lt3A_162 : i1 to i32
      %cond3A_164 = arith.constant 0 : i32
      %cond3A_165 = arith.cmpi ne, %convert_element_type3A_163, %cond3A_164 : i32
      scf.if %cond3A_165 {
        %add3A_166 = arith.constant 3 : i32
        %add3A_167 = arith.addi %add3A_145, %add3A_166 : i32
        %mul3A_168 = arith.constant 80 : i32
        %mul3A_169 = arith.muli %add3A_167, %mul3A_168 : i32
        %dma_start3A_170 = tpu.memref_slice %arg6[%mul3A_169] : memref<20000xi32, #tpu.memory_space<vmem>> -> memref<80xi32, #tpu.memory_space<vmem>>
        %dma_start3A_171 = arith.constant 0 : i32
        %dma_start3A_172 = arith.constant 0 : i32
        %dma_start3A_173 = tpu.memref_slice %arg2[%dma_start3A_171, %dma_start3A_172] : memref<20000x64xf32, #tpu.memory_space<hbm>> -> memref<20000x64xf32, #tpu.memory_space<hbm>>
        tpu.enqueue_indirect_dma source(%dma_start3A_173 : memref<20000x64xf32, #tpu.memory_space<hbm>>) target(%arg10 : memref<80x64xf32, #tpu.memory_space<vmem>>) offsets(%dma_start3A_170 : memref<80xi32, #tpu.memory_space<vmem>>) semaphore(%arg16 : memref<!tpu.dma_semaphore, #tpu.memory_space<semaphore_mem>>)
      } else {
      }
    }
    %scan3A_68 = arith.constant 63 : i32
    %barrier3A_69 = arith.constant 0 : index
    tpu.barrier barrier_id(%barrier3A_69)
    %mul3A_70 = arith.constant 632 : i32
    %mul3A_71 = arith.muli %arg1, %mul3A_70 : i32
    %mul3A_72 = arith.constant 632 : i32
    %mul3A_73 = arith.muli %arg1, %mul3A_72 : i32
    "tpu.region"() ({
      %run_scoped3A = tpu.sem_alloc : memref<!tpu.dma_semaphore, #tpu.memory_space<semaphore_mem>>
      %dma_start3A_74 = arith.constant 0 : i32
      %dma_start3A_75 = tpu.memref_slice %arg5[%arg0, %mul3A_73, %dma_start3A_74] : memref<2x10112x64xf32, #tpu.memory_space<hbm>> -> memref<1x632x64xf32, #tpu.memory_space<hbm>>
      %dma_start3A_76 = tpu.memref_squeeze %dma_start3A_75 : memref<1x632x64xf32, #tpu.memory_space<hbm>> -> memref<632x64xf32, #tpu.memory_space<hbm>>
      %dma_start3A_77 = arith.constant 0 : i32
      %dma_start3A_78 = tpu.memref_slice %arg13[%mul3A_71, %dma_start3A_77] : memref<10112x64xf32, #tpu.memory_space<vmem_shared>> -> memref<632x64xf32, #tpu.memory_space<vmem_shared>>
      tpu.enqueue_dma source(%dma_start3A_78 : memref<632x64xf32, #tpu.memory_space<vmem_shared>>) target(%dma_start3A_76 : memref<632x64xf32, #tpu.memory_space<hbm>>) target_semaphore(%run_scoped3A : memref<!tpu.dma_semaphore, #tpu.memory_space<semaphore_mem>>)
      %dma_wait3A_79 = arith.constant 0 : i32
      %dma_wait3A_80 = tpu.memref_slice %arg5[%arg0, %mul3A_73, %dma_wait3A_79] : memref<2x10112x64xf32, #tpu.memory_space<hbm>> -> memref<1x632x64xf32, #tpu.memory_space<hbm>>
      %dma_wait3A_81 = tpu.memref_squeeze %dma_wait3A_80 : memref<1x632x64xf32, #tpu.memory_space<hbm>> -> memref<632x64xf32, #tpu.memory_space<hbm>>
      %dma_wait3A_82 = arith.constant 0 : i32
      %dma_wait3A_83 = tpu.memref_slice %arg13[%mul3A_71, %dma_wait3A_82] : memref<10112x64xf32, #tpu.memory_space<vmem_shared>> -> memref<632x64xf32, #tpu.memory_space<vmem_shared>>
      tpu.wait_dma2 semaphore(%run_scoped3A : memref<!tpu.dma_semaphore, #tpu.memory_space<semaphore_mem>>) src(%dma_wait3A_83 : memref<632x64xf32, #tpu.memory_space<vmem_shared>>) dst(%dma_wait3A_81 : memref<632x64xf32, #tpu.memory_space<hbm>>)
      tpu.yield
    }) : () -> ()
    return
  }
}

#map = affine_map<(d0, d1) -> (0, 0)>
#map1 = affine_map<(d0, d1) -> (0, 0, 0)>
module attributes {stable_mosaic.version = 14 : i64} {
  func.func @seg(%arg0: i32, %arg1: i32, %arg2: memref<20000x64xf32, #tpu.memory_space<hbm>>, %arg3: memref<32x20000xi32, #tpu.memory_space<hbm>>, %arg4: memref<16x250x80xi32, #tpu.memory_space<hbm>>, %arg5: memref<2x10112x64xf32, #tpu.memory_space<hbm>>, %arg6: memref<20000xi32, #tpu.memory_space<vmem>>, %arg7: memref<250x80xi32, #tpu.memory_space<vmem>>, %arg8: memref<80x64xf32, #tpu.memory_space<vmem>>, %arg9: memref<80x64xf32, #tpu.memory_space<vmem>>, %arg10: memref<80x64xf32, #tpu.memory_space<vmem>>, %arg11: memref<80x64xf32, #tpu.memory_space<vmem>>, %arg12: memref<160x64xf32, #tpu.memory_space<vmem>>, %arg13: memref<10112x64xf32, #tpu.memory_space<vmem_shared>>, %arg14: memref<!tpu.dma_semaphore, #tpu.memory_space<semaphore_mem>>, %arg15: memref<!tpu.dma_semaphore, #tpu.memory_space<semaphore_mem>>, %arg16: memref<!tpu.dma_semaphore, #tpu.memory_space<semaphore_mem>>, %arg17: memref<!tpu.dma_semaphore, #tpu.memory_space<semaphore_mem>>, %arg18: memref<!tpu.dma_semaphore, #tpu.memory_space<semaphore_mem>>, %arg19: memref<!tpu.dma_semaphore, #tpu.memory_space<semaphore_mem>>, %arg20: memref<!tpu.dma_semaphore, #tpu.memory_space<semaphore_mem>>, %arg21: memref<!tpu.dma_semaphore, #tpu.memory_space<semaphore_mem>>) attributes {dimension_semantics = [#tpu.dimension_semantics<core_parallel>, #tpu.dimension_semantics<subcore_parallel>], iteration_bounds = array<i64: 2, 16>, scalar_prefetch = 0 : i64, scratch_operands = 16 : i64, tpu.core_type = #tpu.core_type<sc_vector_subcore>, window_params = [{transform_indices = #map}, {transform_indices = #map}, {transform_indices = #map1}, {transform_indices = #map1}]} {
    %mul3A = arith.constant 16 : i32
    %mul3A_0 = arith.muli %arg0, %mul3A : i32
    %add3A = arith.addi %mul3A_0, %arg1 : i32
    %dma_start3A = arith.constant 0 : i32
    %dma_start3A_1 = tpu.memref_slice %arg3[%add3A, %dma_start3A] : memref<32x20000xi32, #tpu.memory_space<hbm>> -> memref<1x20000xi32, #tpu.memory_space<hbm>>
    %dma_start3A_2 = tpu.memref_squeeze %dma_start3A_1 : memref<1x20000xi32, #tpu.memory_space<hbm>> -> memref<20000xi32, #tpu.memory_space<hbm>>
    %dma_start3A_3 = arith.constant 0 : i32
    %dma_start3A_4 = tpu.memref_slice %arg3[%add3A, %dma_start3A_3] : memref<32x20000xi32, #tpu.memory_space<hbm>> -> memref<1x20000xi32, #tpu.memory_space<hbm>>
    %dma_start3A_5 = tpu.memref_squeeze %dma_start3A_4 : memref<1x20000xi32, #tpu.memory_space<hbm>> -> memref<20000xi32, #tpu.memory_space<hbm>>
    tpu.enqueue_dma source(%dma_start3A_5 : memref<20000xi32, #tpu.memory_space<hbm>>) target(%arg6 : memref<20000xi32, #tpu.memory_space<vmem>>) target_semaphore(%arg14 : memref<!tpu.dma_semaphore, #tpu.memory_space<semaphore_mem>>)
    %dma_start3A_6 = arith.constant 0 : i32
    %dma_start3A_7 = arith.constant 0 : i32
    %dma_start3A_8 = tpu.memref_slice %arg4[%arg1, %dma_start3A_6, %dma_start3A_7] : memref<16x250x80xi32, #tpu.memory_space<hbm>> -> memref<1x250x80xi32, #tpu.memory_space<hbm>>
    %dma_start3A_9 = tpu.memref_squeeze %dma_start3A_8 : memref<1x250x80xi32, #tpu.memory_space<hbm>> -> memref<250x80xi32, #tpu.memory_space<hbm>>
    %dma_start3A_10 = arith.constant 0 : i32
    %dma_start3A_11 = arith.constant 0 : i32
    %dma_start3A_12 = tpu.memref_slice %arg4[%arg1, %dma_start3A_10, %dma_start3A_11] : memref<16x250x80xi32, #tpu.memory_space<hbm>> -> memref<1x250x80xi32, #tpu.memory_space<hbm>>
    %dma_start3A_13 = tpu.memref_squeeze %dma_start3A_12 : memref<1x250x80xi32, #tpu.memory_space<hbm>> -> memref<250x80xi32, #tpu.memory_space<hbm>>
    tpu.enqueue_dma source(%dma_start3A_13 : memref<250x80xi32, #tpu.memory_space<hbm>>) target(%arg7 : memref<250x80xi32, #tpu.memory_space<vmem>>) target_semaphore(%arg15 : memref<!tpu.dma_semaphore, #tpu.memory_space<semaphore_mem>>)
    %scan3A = arith.constant 0 : i32
    %scan3A_14 = arith.constant 0 : i32
    %scan3A_15 = arith.constant 160 : i32
    %scan3A_16 = arith.addi %scan3A_14, %scan3A_15 : i32
    %scan3A_17 = arith.constant 1 : i32
    scf.for %scan3A_74 = %scan3A_14 to %scan3A_16 step %scan3A_17  : i32 {
      %broadcast_in_dim3A = arith.constant 0.000000e+00 : f32
      %broadcast_in_dim3A_75 = vector.broadcast %broadcast_in_dim3A : f32 to vector<16xf32>
      %swap3A = arith.index_cast %scan3A_74 : i32 to index
      %swap3A_76 = arith.constant 0 : index
      %swap3A_77 = tpu.vector_load %arg12[%swap3A, %swap3A_76] {strides = array<i32>} : memref<160x64xf32, #tpu.memory_space<vmem>>, vector<1x16xf32>,
      %swap3A_78 = vector.shape_cast %swap3A_77 : vector<1x16xf32> to vector<16xf32>
      %swap3A_79 = vector.shape_cast %broadcast_in_dim3A_75 : vector<16xf32> to vector<1x16xf32>
      tpu.vector_store %arg12[%swap3A, %swap3A_76], %swap3A_79 {strides = array<i32>} : memref<160x64xf32, #tpu.memory_space<vmem>>, vector<1x16xf32>,
      %broadcast_in_dim3A_80 = arith.constant 0.000000e+00 : f32
      %broadcast_in_dim3A_81 = vector.broadcast %broadcast_in_dim3A_80 : f32 to vector<16xf32>
      %swap3A_82 = arith.index_cast %scan3A_74 : i32 to index
      %swap3A_83 = arith.constant 16 : index
      %swap3A_84 = tpu.vector_load %arg12[%swap3A_82, %swap3A_83] {strides = array<i32>} : memref<160x64xf32, #tpu.memory_space<vmem>>, vector<1x16xf32>,
      %swap3A_85 = vector.shape_cast %swap3A_84 : vector<1x16xf32> to vector<16xf32>
      %swap3A_86 = vector.shape_cast %broadcast_in_dim3A_81 : vector<16xf32> to vector<1x16xf32>
      tpu.vector_store %arg12[%swap3A_82, %swap3A_83], %swap3A_86 {strides = array<i32>} : memref<160x64xf32, #tpu.memory_space<vmem>>, vector<1x16xf32>,
      %broadcast_in_dim3A_87 = arith.constant 0.000000e+00 : f32
      %broadcast_in_dim3A_88 = vector.broadcast %broadcast_in_dim3A_87 : f32 to vector<16xf32>
      %swap3A_89 = arith.index_cast %scan3A_74 : i32 to index
      %swap3A_90 = arith.constant 32 : index
      %swap3A_91 = tpu.vector_load %arg12[%swap3A_89, %swap3A_90] {strides = array<i32>} : memref<160x64xf32, #tpu.memory_space<vmem>>, vector<1x16xf32>,
      %swap3A_92 = vector.shape_cast %swap3A_91 : vector<1x16xf32> to vector<16xf32>
      %swap3A_93 = vector.shape_cast %broadcast_in_dim3A_88 : vector<16xf32> to vector<1x16xf32>
      tpu.vector_store %arg12[%swap3A_89, %swap3A_90], %swap3A_93 {strides = array<i32>} : memref<160x64xf32, #tpu.memory_space<vmem>>, vector<1x16xf32>,
      %broadcast_in_dim3A_94 = arith.constant 0.000000e+00 : f32
      %broadcast_in_dim3A_95 = vector.broadcast %broadcast_in_dim3A_94 : f32 to vector<16xf32>
      %swap3A_96 = arith.index_cast %scan3A_74 : i32 to index
      %swap3A_97 = arith.constant 48 : index
      %swap3A_98 = tpu.vector_load %arg12[%swap3A_96, %swap3A_97] {strides = array<i32>} : memref<160x64xf32, #tpu.memory_space<vmem>>, vector<1x16xf32>,
      %swap3A_99 = vector.shape_cast %swap3A_98 : vector<1x16xf32> to vector<16xf32>
      %swap3A_100 = vector.shape_cast %broadcast_in_dim3A_95 : vector<16xf32> to vector<1x16xf32>
      tpu.vector_store %arg12[%swap3A_96, %swap3A_97], %swap3A_100 {strides = array<i32>} : memref<160x64xf32, #tpu.memory_space<vmem>>, vector<1x16xf32>,
    }
    %scan3A_18 = arith.constant 160 : i32
    %mul3A_19 = arith.constant 632 : i32
    %mul3A_20 = arith.muli %arg1, %mul3A_19 : i32
    %add3A_21 = arith.constant 0 : i32
    %add3A_22 = arith.addi %mul3A_20, %add3A_21 : i32
    "tpu.region"() ({
      %run_scoped3A = tpu.sem_alloc : memref<!tpu.dma_semaphore, #tpu.memory_space<semaphore_mem>>
      %dma_start3A_74 = arith.constant 0 : i32
      %dma_start3A_75 = arith.constant 0 : i32
      %dma_start3A_76 = tpu.memref_slice %arg12[%dma_start3A_74, %dma_start3A_75] : memref<160x64xf32, #tpu.memory_space<vmem>> -> memref<160x64xf32, #tpu.memory_space<vmem>>
      %dma_start3A_77 = arith.constant 0 : i32
      %dma_start3A_78 = tpu.memref_slice %arg13[%add3A_22, %dma_start3A_77] : memref<10112x64xf32, #tpu.memory_space<vmem_shared>> -> memref<160x64xf32, #tpu.memory_space<vmem_shared>>
      %dma_start3A_79 = arith.constant 0 : i32
      %dma_start3A_80 = tpu.memref_slice %arg13[%add3A_22, %dma_start3A_79] : memref<10112x64xf32, #tpu.memory_space<vmem_shared>> -> memref<160x64xf32, #tpu.memory_space<vmem_shared>>
      %dma_start3A_81 = arith.constant 0 : i32
      %dma_start3A_82 = arith.constant 0 : i32
      %dma_start3A_83 = tpu.memref_slice %arg12[%dma_start3A_81, %dma_start3A_82] : memref<160x64xf32, #tpu.memory_space<vmem>> -> memref<160x64xf32, #tpu.memory_space<vmem>>
      tpu.enqueue_dma source(%dma_start3A_83 : memref<160x64xf32, #tpu.memory_space<vmem>>) target(%dma_start3A_80 : memref<160x64xf32, #tpu.memory_space<vmem_shared>>) target_semaphore(%run_scoped3A : memref<!tpu.dma_semaphore, #tpu.memory_space<semaphore_mem>>)
      %dma_wait3A_84 = arith.constant 0 : i32
      %dma_wait3A_85 = arith.constant 0 : i32
      %dma_wait3A_86 = tpu.memref_slice %arg12[%dma_wait3A_84, %dma_wait3A_85] : memref<160x64xf32, #tpu.memory_space<vmem>> -> memref<160x64xf32, #tpu.memory_space<vmem>>
      %dma_wait3A_87 = arith.constant 0 : i32
      %dma_wait3A_88 = tpu.memref_slice %arg13[%add3A_22, %dma_wait3A_87] : memref<10112x64xf32, #tpu.memory_space<vmem_shared>> -> memref<160x64xf32, #tpu.memory_space<vmem_shared>>
      %dma_wait3A_89 = arith.constant 0 : i32
      %dma_wait3A_90 = tpu.memref_slice %arg13[%add3A_22, %dma_wait3A_89] : memref<10112x64xf32, #tpu.memory_space<vmem_shared>> -> memref<160x64xf32, #tpu.memory_space<vmem_shared>>
      %dma_wait3A_91 = arith.constant 0 : i32
      %dma_wait3A_92 = arith.constant 0 : i32
      %dma_wait3A_93 = tpu.memref_slice %arg12[%dma_wait3A_91, %dma_wait3A_92] : memref<160x64xf32, #tpu.memory_space<vmem>> -> memref<160x64xf32, #tpu.memory_space<vmem>>
      tpu.wait_dma2 semaphore(%run_scoped3A : memref<!tpu.dma_semaphore, #tpu.memory_space<semaphore_mem>>) src(%dma_wait3A_93 : memref<160x64xf32, #tpu.memory_space<vmem>>) dst(%dma_wait3A_90 : memref<160x64xf32, #tpu.memory_space<vmem_shared>>)
      tpu.yield
    }) : () -> ()
    %mul3A_23 = arith.constant 632 : i32
    %mul3A_24 = arith.muli %arg1, %mul3A_23 : i32
    %add3A_25 = arith.constant 160 : i32
    %add3A_26 = arith.addi %mul3A_24, %add3A_25 : i32
    "tpu.region"() ({
      %run_scoped3A = tpu.sem_alloc : memref<!tpu.dma_semaphore, #tpu.memory_space<semaphore_mem>>
      %dma_start3A_74 = arith.constant 0 : i32
      %dma_start3A_75 = arith.constant 0 : i32
      %dma_start3A_76 = tpu.memref_slice %arg12[%dma_start3A_74, %dma_start3A_75] : memref<160x64xf32, #tpu.memory_space<vmem>> -> memref<160x64xf32, #tpu.memory_space<vmem>>
      %dma_start3A_77 = arith.constant 0 : i32
      %dma_start3A_78 = tpu.memref_slice %arg13[%add3A_26, %dma_start3A_77] : memref<10112x64xf32, #tpu.memory_space<vmem_shared>> -> memref<160x64xf32, #tpu.memory_space<vmem_shared>>
      %dma_start3A_79 = arith.constant 0 : i32
      %dma_start3A_80 = tpu.memref_slice %arg13[%add3A_26, %dma_start3A_79] : memref<10112x64xf32, #tpu.memory_space<vmem_shared>> -> memref<160x64xf32, #tpu.memory_space<vmem_shared>>
      %dma_start3A_81 = arith.constant 0 : i32
      %dma_start3A_82 = arith.constant 0 : i32
      %dma_start3A_83 = tpu.memref_slice %arg12[%dma_start3A_81, %dma_start3A_82] : memref<160x64xf32, #tpu.memory_space<vmem>> -> memref<160x64xf32, #tpu.memory_space<vmem>>
      tpu.enqueue_dma source(%dma_start3A_83 : memref<160x64xf32, #tpu.memory_space<vmem>>) target(%dma_start3A_80 : memref<160x64xf32, #tpu.memory_space<vmem_shared>>) target_semaphore(%run_scoped3A : memref<!tpu.dma_semaphore, #tpu.memory_space<semaphore_mem>>)
      %dma_wait3A_84 = arith.constant 0 : i32
      %dma_wait3A_85 = arith.constant 0 : i32
      %dma_wait3A_86 = tpu.memref_slice %arg12[%dma_wait3A_84, %dma_wait3A_85] : memref<160x64xf32, #tpu.memory_space<vmem>> -> memref<160x64xf32, #tpu.memory_space<vmem>>
      %dma_wait3A_87 = arith.constant 0 : i32
      %dma_wait3A_88 = tpu.memref_slice %arg13[%add3A_26, %dma_wait3A_87] : memref<10112x64xf32, #tpu.memory_space<vmem_shared>> -> memref<160x64xf32, #tpu.memory_space<vmem_shared>>
      %dma_wait3A_89 = arith.constant 0 : i32
      %dma_wait3A_90 = tpu.memref_slice %arg13[%add3A_26, %dma_wait3A_89] : memref<10112x64xf32, #tpu.memory_space<vmem_shared>> -> memref<160x64xf32, #tpu.memory_space<vmem_shared>>
      %dma_wait3A_91 = arith.constant 0 : i32
      %dma_wait3A_92 = arith.constant 0 : i32
      %dma_wait3A_93 = tpu.memref_slice %arg12[%dma_wait3A_91, %dma_wait3A_92] : memref<160x64xf32, #tpu.memory_space<vmem>> -> memref<160x64xf32, #tpu.memory_space<vmem>>
      tpu.wait_dma2 semaphore(%run_scoped3A : memref<!tpu.dma_semaphore, #tpu.memory_space<semaphore_mem>>) src(%dma_wait3A_93 : memref<160x64xf32, #tpu.memory_space<vmem>>) dst(%dma_wait3A_90 : memref<160x64xf32, #tpu.memory_space<vmem_shared>>)
      tpu.yield
    }) : () -> ()
    %mul3A_27 = arith.constant 632 : i32
    %mul3A_28 = arith.muli %arg1, %mul3A_27 : i32
    %add3A_29 = arith.constant 320 : i32
    %add3A_30 = arith.addi %mul3A_28, %add3A_29 : i32
    "tpu.region"() ({
      %run_scoped3A = tpu.sem_alloc : memref<!tpu.dma_semaphore, #tpu.memory_space<semaphore_mem>>
      %dma_start3A_74 = arith.constant 0 : i32
      %dma_start3A_75 = arith.constant 0 : i32
      %dma_start3A_76 = tpu.memref_slice %arg12[%dma_start3A_74, %dma_start3A_75] : memref<160x64xf32, #tpu.memory_space<vmem>> -> memref<160x64xf32, #tpu.memory_space<vmem>>
      %dma_start3A_77 = arith.constant 0 : i32
      %dma_start3A_78 = tpu.memref_slice %arg13[%add3A_30, %dma_start3A_77] : memref<10112x64xf32, #tpu.memory_space<vmem_shared>> -> memref<160x64xf32, #tpu.memory_space<vmem_shared>>
      %dma_start3A_79 = arith.constant 0 : i32
      %dma_start3A_80 = tpu.memref_slice %arg13[%add3A_30, %dma_start3A_79] : memref<10112x64xf32, #tpu.memory_space<vmem_shared>> -> memref<160x64xf32, #tpu.memory_space<vmem_shared>>
      %dma_start3A_81 = arith.constant 0 : i32
      %dma_start3A_82 = arith.constant 0 : i32
      %dma_start3A_83 = tpu.memref_slice %arg12[%dma_start3A_81, %dma_start3A_82] : memref<160x64xf32, #tpu.memory_space<vmem>> -> memref<160x64xf32, #tpu.memory_space<vmem>>
      tpu.enqueue_dma source(%dma_start3A_83 : memref<160x64xf32, #tpu.memory_space<vmem>>) target(%dma_start3A_80 : memref<160x64xf32, #tpu.memory_space<vmem_shared>>) target_semaphore(%run_scoped3A : memref<!tpu.dma_semaphore, #tpu.memory_space<semaphore_mem>>)
      %dma_wait3A_84 = arith.constant 0 : i32
      %dma_wait3A_85 = arith.constant 0 : i32
      %dma_wait3A_86 = tpu.memref_slice %arg12[%dma_wait3A_84, %dma_wait3A_85] : memref<160x64xf32, #tpu.memory_space<vmem>> -> memref<160x64xf32, #tpu.memory_space<vmem>>
      %dma_wait3A_87 = arith.constant 0 : i32
      %dma_wait3A_88 = tpu.memref_slice %arg13[%add3A_30, %dma_wait3A_87] : memref<10112x64xf32, #tpu.memory_space<vmem_shared>> -> memref<160x64xf32, #tpu.memory_space<vmem_shared>>
      %dma_wait3A_89 = arith.constant 0 : i32
      %dma_wait3A_90 = tpu.memref_slice %arg13[%add3A_30, %dma_wait3A_89] : memref<10112x64xf32, #tpu.memory_space<vmem_shared>> -> memref<160x64xf32, #tpu.memory_space<vmem_shared>>
      %dma_wait3A_91 = arith.constant 0 : i32
      %dma_wait3A_92 = arith.constant 0 : i32
      %dma_wait3A_93 = tpu.memref_slice %arg12[%dma_wait3A_91, %dma_wait3A_92] : memref<160x64xf32, #tpu.memory_space<vmem>> -> memref<160x64xf32, #tpu.memory_space<vmem>>
      tpu.wait_dma2 semaphore(%run_scoped3A : memref<!tpu.dma_semaphore, #tpu.memory_space<semaphore_mem>>) src(%dma_wait3A_93 : memref<160x64xf32, #tpu.memory_space<vmem>>) dst(%dma_wait3A_90 : memref<160x64xf32, #tpu.memory_space<vmem_shared>>)
      tpu.yield
    }) : () -> ()
    %mul3A_31 = arith.constant 632 : i32
    %mul3A_32 = arith.muli %arg1, %mul3A_31 : i32
    %add3A_33 = arith.constant 480 : i32
    %add3A_34 = arith.addi %mul3A_32, %add3A_33 : i32
    "tpu.region"() ({
      %run_scoped3A = tpu.sem_alloc : memref<!tpu.dma_semaphore, #tpu.memory_space<semaphore_mem>>
      %dma_start3A_74 = arith.constant 0 : i32
      %dma_start3A_75 = arith.constant 0 : i32
      %dma_start3A_76 = tpu.memref_slice %arg12[%dma_start3A_74, %dma_start3A_75] : memref<160x64xf32, #tpu.memory_space<vmem>> -> memref<152x64xf32, #tpu.memory_space<vmem>>
      %dma_start3A_77 = arith.constant 0 : i32
      %dma_start3A_78 = tpu.memref_slice %arg13[%add3A_34, %dma_start3A_77] : memref<10112x64xf32, #tpu.memory_space<vmem_shared>> -> memref<152x64xf32, #tpu.memory_space<vmem_shared>>
      %dma_start3A_79 = arith.constant 0 : i32
      %dma_start3A_80 = tpu.memref_slice %arg13[%add3A_34, %dma_start3A_79] : memref<10112x64xf32, #tpu.memory_space<vmem_shared>> -> memref<152x64xf32, #tpu.memory_space<vmem_shared>>
      %dma_start3A_81 = arith.constant 0 : i32
      %dma_start3A_82 = arith.constant 0 : i32
      %dma_start3A_83 = tpu.memref_slice %arg12[%dma_start3A_81, %dma_start3A_82] : memref<160x64xf32, #tpu.memory_space<vmem>> -> memref<152x64xf32, #tpu.memory_space<vmem>>
      tpu.enqueue_dma source(%dma_start3A_83 : memref<152x64xf32, #tpu.memory_space<vmem>>) target(%dma_start3A_80 : memref<152x64xf32, #tpu.memory_space<vmem_shared>>) target_semaphore(%run_scoped3A : memref<!tpu.dma_semaphore, #tpu.memory_space<semaphore_mem>>)
      %dma_wait3A_84 = arith.constant 0 : i32
      %dma_wait3A_85 = arith.constant 0 : i32
      %dma_wait3A_86 = tpu.memref_slice %arg12[%dma_wait3A_84, %dma_wait3A_85] : memref<160x64xf32, #tpu.memory_space<vmem>> -> memref<152x64xf32, #tpu.memory_space<vmem>>
      %dma_wait3A_87 = arith.constant 0 : i32
      %dma_wait3A_88 = tpu.memref_slice %arg13[%add3A_34, %dma_wait3A_87] : memref<10112x64xf32, #tpu.memory_space<vmem_shared>> -> memref<152x64xf32, #tpu.memory_space<vmem_shared>>
      %dma_wait3A_89 = arith.constant 0 : i32
      %dma_wait3A_90 = tpu.memref_slice %arg13[%add3A_34, %dma_wait3A_89] : memref<10112x64xf32, #tpu.memory_space<vmem_shared>> -> memref<152x64xf32, #tpu.memory_space<vmem_shared>>
      %dma_wait3A_91 = arith.constant 0 : i32
      %dma_wait3A_92 = arith.constant 0 : i32
      %dma_wait3A_93 = tpu.memref_slice %arg12[%dma_wait3A_91, %dma_wait3A_92] : memref<160x64xf32, #tpu.memory_space<vmem>> -> memref<152x64xf32, #tpu.memory_space<vmem>>
      tpu.wait_dma2 semaphore(%run_scoped3A : memref<!tpu.dma_semaphore, #tpu.memory_space<semaphore_mem>>) src(%dma_wait3A_93 : memref<152x64xf32, #tpu.memory_space<vmem>>) dst(%dma_wait3A_90 : memref<152x64xf32, #tpu.memory_space<vmem_shared>>)
      tpu.yield
    }) : () -> ()
    %dma_wait3A = arith.constant 0 : i32
    %dma_wait3A_35 = tpu.memref_slice %arg3[%add3A, %dma_wait3A] : memref<32x20000xi32, #tpu.memory_space<hbm>> -> memref<1x20000xi32, #tpu.memory_space<hbm>>
    %dma_wait3A_36 = tpu.memref_squeeze %dma_wait3A_35 : memref<1x20000xi32, #tpu.memory_space<hbm>> -> memref<20000xi32, #tpu.memory_space<hbm>>
    %dma_wait3A_37 = arith.constant 0 : i32
    %dma_wait3A_38 = tpu.memref_slice %arg3[%add3A, %dma_wait3A_37] : memref<32x20000xi32, #tpu.memory_space<hbm>> -> memref<1x20000xi32, #tpu.memory_space<hbm>>
    %dma_wait3A_39 = tpu.memref_squeeze %dma_wait3A_38 : memref<1x20000xi32, #tpu.memory_space<hbm>> -> memref<20000xi32, #tpu.memory_space<hbm>>
    tpu.wait_dma2 semaphore(%arg14 : memref<!tpu.dma_semaphore, #tpu.memory_space<semaphore_mem>>) src(%dma_wait3A_39 : memref<20000xi32, #tpu.memory_space<hbm>>) dst(%arg6 : memref<20000xi32, #tpu.memory_space<vmem>>)
    %dma_wait3A_40 = arith.constant 0 : i32
    %dma_wait3A_41 = arith.constant 0 : i32
    %dma_wait3A_42 = tpu.memref_slice %arg4[%arg1, %dma_wait3A_40, %dma_wait3A_41] : memref<16x250x80xi32, #tpu.memory_space<hbm>> -> memref<1x250x80xi32, #tpu.memory_space<hbm>>
    %dma_wait3A_43 = tpu.memref_squeeze %dma_wait3A_42 : memref<1x250x80xi32, #tpu.memory_space<hbm>> -> memref<250x80xi32, #tpu.memory_space<hbm>>
    %dma_wait3A_44 = arith.constant 0 : i32
    %dma_wait3A_45 = arith.constant 0 : i32
    %dma_wait3A_46 = tpu.memref_slice %arg4[%arg1, %dma_wait3A_44, %dma_wait3A_45] : memref<16x250x80xi32, #tpu.memory_space<hbm>> -> memref<1x250x80xi32, #tpu.memory_space<hbm>>
    %dma_wait3A_47 = tpu.memref_squeeze %dma_wait3A_46 : memref<1x250x80xi32, #tpu.memory_space<hbm>> -> memref<250x80xi32, #tpu.memory_space<hbm>>
    tpu.wait_dma2 semaphore(%arg15 : memref<!tpu.dma_semaphore, #tpu.memory_space<semaphore_mem>>) src(%dma_wait3A_47 : memref<250x80xi32, #tpu.memory_space<hbm>>) dst(%arg7 : memref<250x80xi32, #tpu.memory_space<vmem>>)
    %barrier3A = arith.constant 0 : index
    tpu.barrier barrier_id(%barrier3A)
    %dma_start3A_48 = arith.constant 0 : i32
    %dma_start3A_49 = tpu.memref_slice %arg6[%dma_start3A_48] : memref<20000xi32, #tpu.memory_space<vmem>> -> memref<80xi32, #tpu.memory_space<vmem>>
    %dma_start3A_50 = arith.constant 0 : i32
    %dma_start3A_51 = arith.constant 0 : i32
    %dma_start3A_52 = tpu.memref_slice %arg2[%dma_start3A_50, %dma_start3A_51] : memref<20000x64xf32, #tpu.memory_space<hbm>> -> memref<20000x64xf32, #tpu.memory_space<hbm>>
    tpu.enqueue_indirect_dma source(%dma_start3A_52 : memref<20000x64xf32, #tpu.memory_space<hbm>>) target(%arg8 : memref<80x64xf32, #tpu.memory_space<vmem>>) offsets(%dma_start3A_49 : memref<80xi32, #tpu.memory_space<vmem>>) semaphore(%arg14 : memref<!tpu.dma_semaphore, #tpu.memory_space<semaphore_mem>>)
    %dma_start3A_53 = arith.constant 80 : i32
    %dma_start3A_54 = tpu.memref_slice %arg6[%dma_start3A_53] : memref<20000xi32, #tpu.memory_space<vmem>> -> memref<80xi32, #tpu.memory_space<vmem>>
    %dma_start3A_55 = arith.constant 0 : i32
    %dma_start3A_56 = arith.constant 0 : i32
    %dma_start3A_57 = tpu.memref_slice %arg2[%dma_start3A_55, %dma_start3A_56] : memref<20000x64xf32, #tpu.memory_space<hbm>> -> memref<20000x64xf32, #tpu.memory_space<hbm>>
    tpu.enqueue_indirect_dma source(%dma_start3A_57 : memref<20000x64xf32, #tpu.memory_space<hbm>>) target(%arg9 : memref<80x64xf32, #tpu.memory_space<vmem>>) offsets(%dma_start3A_54 : memref<80xi32, #tpu.memory_space<vmem>>) semaphore(%arg15 : memref<!tpu.dma_semaphore, #tpu.memory_space<semaphore_mem>>)
    %dma_start3A_58 = arith.constant 160 : i32
    %dma_start3A_59 = tpu.memref_slice %arg6[%dma_start3A_58] : memref<20000xi32, #tpu.memory_space<vmem>> -> memref<80xi32, #tpu.memory_space<vmem>>
    %dma_start3A_60 = arith.constant 0 : i32
    %dma_start3A_61 = arith.constant 0 : i32
    %dma_start3A_62 = tpu.memref_slice %arg2[%dma_start3A_60, %dma_start3A_61] : memref<20000x64xf32, #tpu.memory_space<hbm>> -> memref<20000x64xf32, #tpu.memory_space<hbm>>
    tpu.enqueue_indirect_dma source(%dma_start3A_62 : memref<20000x64xf32, #tpu.memory_space<hbm>>) target(%arg10 : memref<80x64xf32, #tpu.memory_space<vmem>>) offsets(%dma_start3A_59 : memref<80xi32, #tpu.memory_space<vmem>>) semaphore(%arg16 : memref<!tpu.dma_semaphore, #tpu.memory_space<semaphore_mem>>)
    %scan3A_63 = arith.constant 0 : i32
    %scan3A_64 = arith.constant 0 : i32
    %scan3A_65 = arith.constant 63 : i32
    %scan3A_66 = arith.addi %scan3A_64, %scan3A_65 : i32
    %scan3A_67 = arith.constant 1 : i32
    scf.for %scan3A_74 = %scan3A_64 to %scan3A_66 step %scan3A_67  : i32 {
      %mul3A_75 = arith.constant 4 : i32
      %mul3A_76 = arith.muli %mul3A_75, %scan3A_74 : i32
      %add3A_77 = arith.constant 0 : i32
      %add3A_78 = arith.addi %mul3A_76, %add3A_77 : i32
      %lt3A = arith.constant 250 : i32
      %lt3A_79 = arith.cmpi slt, %add3A_78, %lt3A : i32
      %convert_element_type3A = arith.extui %lt3A_79 : i1 to i32
      %cond3A = arith.constant 0 : i32
      %cond3A_80 = arith.cmpi ne, %convert_element_type3A, %cond3A : i32
      scf.if %cond3A_80 {
        %mul3A_166 = arith.constant 80 : i32
        %mul3A_167 = arith.muli %add3A_78, %mul3A_166 : i32
        %dma_wait3A_168 = tpu.memref_slice %arg6[%mul3A_167] : memref<20000xi32, #tpu.memory_space<vmem>> -> memref<80xi32, #tpu.memory_space<vmem>>
        %dma_wait3A_169 = arith.constant 0 : i32
        %dma_wait3A_170 = arith.constant 0 : i32
        %dma_wait3A_171 = tpu.memref_slice %arg2[%dma_wait3A_169, %dma_wait3A_170] : memref<20000x64xf32, #tpu.memory_space<hbm>> -> memref<20000x64xf32, #tpu.memory_space<hbm>>
        tpu.wait_indirect_dma semaphore(%arg14 : memref<!tpu.dma_semaphore, #tpu.memory_space<semaphore_mem>>) src(%dma_wait3A_171 : memref<20000x64xf32, #tpu.memory_space<hbm>>) dst(%arg8 : memref<80x64xf32, #tpu.memory_space<vmem>>)
        %dma_start3A_172 = arith.constant 0 : i32
        %dma_start3A_173 = tpu.memref_slice %arg7[%add3A_78, %dma_start3A_172] : memref<250x80xi32, #tpu.memory_space<vmem>> -> memref<1x80xi32, #tpu.memory_space<vmem>>
        %dma_start3A_174 = tpu.memref_squeeze %dma_start3A_173 : memref<1x80xi32, #tpu.memory_space<vmem>> -> memref<80xi32, #tpu.memory_space<vmem>>
        %dma_start3A_175 = arith.constant 0 : i32
        %dma_start3A_176 = arith.constant 0 : i32
        %dma_start3A_177 = tpu.memref_slice %arg13[%dma_start3A_175, %dma_start3A_176] : memref<10112x64xf32, #tpu.memory_space<vmem_shared>> -> memref<10112x64xf32, #tpu.memory_space<vmem_shared>>
        tpu.enqueue_indirect_dma source(%arg8 : memref<80x64xf32, #tpu.memory_space<vmem>>) target(%dma_start3A_177 : memref<10112x64xf32, #tpu.memory_space<vmem_shared>>) offsets(%dma_start3A_174 : memref<80xi32, #tpu.memory_space<vmem>>) semaphore(%arg18 : memref<!tpu.dma_semaphore, #tpu.memory_space<semaphore_mem>>) {add = true}
      } else {
      }
      %ge3A = arith.constant 1 : i32
      %ge3A_81 = arith.cmpi sge, %add3A_78, %ge3A : i32
      %lt3A_82 = arith.constant 251 : i32
      %lt3A_83 = arith.cmpi slt, %add3A_78, %lt3A_82 : i32
      %and3A = arith.andi %ge3A_81, %lt3A_83 : i1
      %convert_element_type3A_84 = arith.extui %and3A : i1 to i32
      %cond3A_85 = arith.constant 0 : i32
      %cond3A_86 = arith.cmpi ne, %convert_element_type3A_84, %cond3A_85 : i32
      scf.if %cond3A_86 {
        %sub3A = arith.constant 1 : i32
        %sub3A_166 = arith.subi %add3A_78, %sub3A : i32
        %dma_wait3A_167 = arith.constant 0 : i32
        %dma_wait3A_168 = tpu.memref_slice %arg7[%sub3A_166, %dma_wait3A_167] : memref<250x80xi32, #tpu.memory_space<vmem>> -> memref<1x80xi32, #tpu.memory_space<vmem>>
        %dma_wait3A_169 = tpu.memref_squeeze %dma_wait3A_168 : memref<1x80xi32, #tpu.memory_space<vmem>> -> memref<80xi32, #tpu.memory_space<vmem>>
        %dma_wait3A_170 = arith.constant 0 : i32
        %dma_wait3A_171 = arith.constant 0 : i32
        %dma_wait3A_172 = tpu.memref_slice %arg13[%dma_wait3A_170, %dma_wait3A_171] : memref<10112x64xf32, #tpu.memory_space<vmem_shared>> -> memref<10112x64xf32, #tpu.memory_space<vmem_shared>>
        tpu.wait_indirect_dma semaphore(%arg21 : memref<!tpu.dma_semaphore, #tpu.memory_space<semaphore_mem>>) src(%arg11 : memref<80x64xf32, #tpu.memory_space<vmem>>) dst(%dma_wait3A_172 : memref<10112x64xf32, #tpu.memory_space<vmem_shared>>)
      } else {
      }
      %add3A_87 = arith.constant 3 : i32
      %add3A_88 = arith.addi %add3A_78, %add3A_87 : i32
      %lt3A_89 = arith.constant 250 : i32
      %lt3A_90 = arith.cmpi slt, %add3A_88, %lt3A_89 : i32
      %convert_element_type3A_91 = arith.extui %lt3A_90 : i1 to i32
      %cond3A_92 = arith.constant 0 : i32
      %cond3A_93 = arith.cmpi ne, %convert_element_type3A_91, %cond3A_92 : i32
      scf.if %cond3A_93 {
        %add3A_166 = arith.constant 3 : i32
        %add3A_167 = arith.addi %add3A_78, %add3A_166 : i32
        %mul3A_168 = arith.constant 80 : i32
        %mul3A_169 = arith.muli %add3A_167, %mul3A_168 : i32
        %dma_start3A_170 = tpu.memref_slice %arg6[%mul3A_169] : memref<20000xi32, #tpu.memory_space<vmem>> -> memref<80xi32, #tpu.memory_space<vmem>>
        %dma_start3A_171 = arith.constant 0 : i32
        %dma_start3A_172 = arith.constant 0 : i32
        %dma_start3A_173 = tpu.memref_slice %arg2[%dma_start3A_171, %dma_start3A_172] : memref<20000x64xf32, #tpu.memory_space<hbm>> -> memref<20000x64xf32, #tpu.memory_space<hbm>>
        tpu.enqueue_indirect_dma source(%dma_start3A_173 : memref<20000x64xf32, #tpu.memory_space<hbm>>) target(%arg11 : memref<80x64xf32, #tpu.memory_space<vmem>>) offsets(%dma_start3A_170 : memref<80xi32, #tpu.memory_space<vmem>>) semaphore(%arg17 : memref<!tpu.dma_semaphore, #tpu.memory_space<semaphore_mem>>)
      } else {
      }
      %mul3A_94 = arith.constant 4 : i32
      %mul3A_95 = arith.muli %mul3A_94, %scan3A_74 : i32
      %add3A_96 = arith.constant 1 : i32
      %add3A_97 = arith.addi %mul3A_95, %add3A_96 : i32
      %lt3A_98 = arith.constant 250 : i32
      %lt3A_99 = arith.cmpi slt, %add3A_97, %lt3A_98 : i32
      %convert_element_type3A_100 = arith.extui %lt3A_99 : i1 to i32
      %cond3A_101 = arith.constant 0 : i32
      %cond3A_102 = arith.cmpi ne, %convert_element_type3A_100, %cond3A_101 : i32
      scf.if %cond3A_102 {
        %mul3A_166 = arith.constant 80 : i32
        %mul3A_167 = arith.muli %add3A_97, %mul3A_166 : i32
        %dma_wait3A_168 = tpu.memref_slice %arg6[%mul3A_167] : memref<20000xi32, #tpu.memory_space<vmem>> -> memref<80xi32, #tpu.memory_space<vmem>>
        %dma_wait3A_169 = arith.constant 0 : i32
        %dma_wait3A_170 = arith.constant 0 : i32
        %dma_wait3A_171 = tpu.memref_slice %arg2[%dma_wait3A_169, %dma_wait3A_170] : memref<20000x64xf32, #tpu.memory_space<hbm>> -> memref<20000x64xf32, #tpu.memory_space<hbm>>
        tpu.wait_indirect_dma semaphore(%arg15 : memref<!tpu.dma_semaphore, #tpu.memory_space<semaphore_mem>>) src(%dma_wait3A_171 : memref<20000x64xf32, #tpu.memory_space<hbm>>) dst(%arg9 : memref<80x64xf32, #tpu.memory_space<vmem>>)
        %dma_start3A_172 = arith.constant 0 : i32
        %dma_start3A_173 = tpu.memref_slice %arg7[%add3A_97, %dma_start3A_172] : memref<250x80xi32, #tpu.memory_space<vmem>> -> memref<1x80xi32, #tpu.memory_space<vmem>>
        %dma_start3A_174 = tpu.memref_squeeze %dma_start3A_173 : memref<1x80xi32, #tpu.memory_space<vmem>> -> memref<80xi32, #tpu.memory_space<vmem>>
        %dma_start3A_175 = arith.constant 0 : i32
        %dma_start3A_176 = arith.constant 0 : i32
        %dma_start3A_177 = tpu.memref_slice %arg13[%dma_start3A_175, %dma_start3A_176] : memref<10112x64xf32, #tpu.memory_space<vmem_shared>> -> memref<10112x64xf32, #tpu.memory_space<vmem_shared>>
        tpu.enqueue_indirect_dma source(%arg9 : memref<80x64xf32, #tpu.memory_space<vmem>>) target(%dma_start3A_177 : memref<10112x64xf32, #tpu.memory_space<vmem_shared>>) offsets(%dma_start3A_174 : memref<80xi32, #tpu.memory_space<vmem>>) semaphore(%arg19 : memref<!tpu.dma_semaphore, #tpu.memory_space<semaphore_mem>>) {add = true}
      } else {
      }
      %ge3A_103 = arith.constant 1 : i32
      %ge3A_104 = arith.cmpi sge, %add3A_97, %ge3A_103 : i32
      %lt3A_105 = arith.constant 251 : i32
      %lt3A_106 = arith.cmpi slt, %add3A_97, %lt3A_105 : i32
      %and3A_107 = arith.andi %ge3A_104, %lt3A_106 : i1
      %convert_element_type3A_108 = arith.extui %and3A_107 : i1 to i32
      %cond3A_109 = arith.constant 0 : i32
      %cond3A_110 = arith.cmpi ne, %convert_element_type3A_108, %cond3A_109 : i32
      scf.if %cond3A_110 {
        %sub3A = arith.constant 1 : i32
        %sub3A_166 = arith.subi %add3A_97, %sub3A : i32
        %dma_wait3A_167 = arith.constant 0 : i32
        %dma_wait3A_168 = tpu.memref_slice %arg7[%sub3A_166, %dma_wait3A_167] : memref<250x80xi32, #tpu.memory_space<vmem>> -> memref<1x80xi32, #tpu.memory_space<vmem>>
        %dma_wait3A_169 = tpu.memref_squeeze %dma_wait3A_168 : memref<1x80xi32, #tpu.memory_space<vmem>> -> memref<80xi32, #tpu.memory_space<vmem>>
        %dma_wait3A_170 = arith.constant 0 : i32
        %dma_wait3A_171 = arith.constant 0 : i32
        %dma_wait3A_172 = tpu.memref_slice %arg13[%dma_wait3A_170, %dma_wait3A_171] : memref<10112x64xf32, #tpu.memory_space<vmem_shared>> -> memref<10112x64xf32, #tpu.memory_space<vmem_shared>>
        tpu.wait_indirect_dma semaphore(%arg18 : memref<!tpu.dma_semaphore, #tpu.memory_space<semaphore_mem>>) src(%arg8 : memref<80x64xf32, #tpu.memory_space<vmem>>) dst(%dma_wait3A_172 : memref<10112x64xf32, #tpu.memory_space<vmem_shared>>)
      } else {
      }
      %add3A_111 = arith.constant 3 : i32
      %add3A_112 = arith.addi %add3A_97, %add3A_111 : i32
      %lt3A_113 = arith.constant 250 : i32
      %lt3A_114 = arith.cmpi slt, %add3A_112, %lt3A_113 : i32
      %convert_element_type3A_115 = arith.extui %lt3A_114 : i1 to i32
      %cond3A_116 = arith.constant 0 : i32
      %cond3A_117 = arith.cmpi ne, %convert_element_type3A_115, %cond3A_116 : i32
      scf.if %cond3A_117 {
        %add3A_166 = arith.constant 3 : i32
        %add3A_167 = arith.addi %add3A_97, %add3A_166 : i32
        %mul3A_168 = arith.constant 80 : i32
        %mul3A_169 = arith.muli %add3A_167, %mul3A_168 : i32
        %dma_start3A_170 = tpu.memref_slice %arg6[%mul3A_169] : memref<20000xi32, #tpu.memory_space<vmem>> -> memref<80xi32, #tpu.memory_space<vmem>>
        %dma_start3A_171 = arith.constant 0 : i32
        %dma_start3A_172 = arith.constant 0 : i32
        %dma_start3A_173 = tpu.memref_slice %arg2[%dma_start3A_171, %dma_start3A_172] : memref<20000x64xf32, #tpu.memory_space<hbm>> -> memref<20000x64xf32, #tpu.memory_space<hbm>>
        tpu.enqueue_indirect_dma source(%dma_start3A_173 : memref<20000x64xf32, #tpu.memory_space<hbm>>) target(%arg8 : memref<80x64xf32, #tpu.memory_space<vmem>>) offsets(%dma_start3A_170 : memref<80xi32, #tpu.memory_space<vmem>>) semaphore(%arg14 : memref<!tpu.dma_semaphore, #tpu.memory_space<semaphore_mem>>)
      } else {
      }
      %mul3A_118 = arith.constant 4 : i32
      %mul3A_119 = arith.muli %mul3A_118, %scan3A_74 : i32
      %add3A_120 = arith.constant 2 : i32
      %add3A_121 = arith.addi %mul3A_119, %add3A_120 : i32
      %lt3A_122 = arith.constant 250 : i32
      %lt3A_123 = arith.cmpi slt, %add3A_121, %lt3A_122 : i32
      %convert_element_type3A_124 = arith.extui %lt3A_123 : i1 to i32
      %cond3A_125 = arith.constant 0 : i32
      %cond3A_126 = arith.cmpi ne, %convert_element_type3A_124, %cond3A_125 : i32
      scf.if %cond3A_126 {
        %mul3A_166 = arith.constant 80 : i32
        %mul3A_167 = arith.muli %add3A_121, %mul3A_166 : i32
        %dma_wait3A_168 = tpu.memref_slice %arg6[%mul3A_167] : memref<20000xi32, #tpu.memory_space<vmem>> -> memref<80xi32, #tpu.memory_space<vmem>>
        %dma_wait3A_169 = arith.constant 0 : i32
        %dma_wait3A_170 = arith.constant 0 : i32
        %dma_wait3A_171 = tpu.memref_slice %arg2[%dma_wait3A_169, %dma_wait3A_170] : memref<20000x64xf32, #tpu.memory_space<hbm>> -> memref<20000x64xf32, #tpu.memory_space<hbm>>
        tpu.wait_indirect_dma semaphore(%arg16 : memref<!tpu.dma_semaphore, #tpu.memory_space<semaphore_mem>>) src(%dma_wait3A_171 : memref<20000x64xf32, #tpu.memory_space<hbm>>) dst(%arg10 : memref<80x64xf32, #tpu.memory_space<vmem>>)
        %dma_start3A_172 = arith.constant 0 : i32
        %dma_start3A_173 = tpu.memref_slice %arg7[%add3A_121, %dma_start3A_172] : memref<250x80xi32, #tpu.memory_space<vmem>> -> memref<1x80xi32, #tpu.memory_space<vmem>>
        %dma_start3A_174 = tpu.memref_squeeze %dma_start3A_173 : memref<1x80xi32, #tpu.memory_space<vmem>> -> memref<80xi32, #tpu.memory_space<vmem>>
        %dma_start3A_175 = arith.constant 0 : i32
        %dma_start3A_176 = arith.constant 0 : i32
        %dma_start3A_177 = tpu.memref_slice %arg13[%dma_start3A_175, %dma_start3A_176] : memref<10112x64xf32, #tpu.memory_space<vmem_shared>> -> memref<10112x64xf32, #tpu.memory_space<vmem_shared>>
        tpu.enqueue_indirect_dma source(%arg10 : memref<80x64xf32, #tpu.memory_space<vmem>>) target(%dma_start3A_177 : memref<10112x64xf32, #tpu.memory_space<vmem_shared>>) offsets(%dma_start3A_174 : memref<80xi32, #tpu.memory_space<vmem>>) semaphore(%arg20 : memref<!tpu.dma_semaphore, #tpu.memory_space<semaphore_mem>>) {add = true}
      } else {
      }
      %ge3A_127 = arith.constant 1 : i32
      %ge3A_128 = arith.cmpi sge, %add3A_121, %ge3A_127 : i32
      %lt3A_129 = arith.constant 251 : i32
      %lt3A_130 = arith.cmpi slt, %add3A_121, %lt3A_129 : i32
      %and3A_131 = arith.andi %ge3A_128, %lt3A_130 : i1
      %convert_element_type3A_132 = arith.extui %and3A_131 : i1 to i32
      %cond3A_133 = arith.constant 0 : i32
      %cond3A_134 = arith.cmpi ne, %convert_element_type3A_132, %cond3A_133 : i32
      scf.if %cond3A_134 {
        %sub3A = arith.constant 1 : i32
        %sub3A_166 = arith.subi %add3A_121, %sub3A : i32
        %dma_wait3A_167 = arith.constant 0 : i32
        %dma_wait3A_168 = tpu.memref_slice %arg7[%sub3A_166, %dma_wait3A_167] : memref<250x80xi32, #tpu.memory_space<vmem>> -> memref<1x80xi32, #tpu.memory_space<vmem>>
        %dma_wait3A_169 = tpu.memref_squeeze %dma_wait3A_168 : memref<1x80xi32, #tpu.memory_space<vmem>> -> memref<80xi32, #tpu.memory_space<vmem>>
        %dma_wait3A_170 = arith.constant 0 : i32
        %dma_wait3A_171 = arith.constant 0 : i32
        %dma_wait3A_172 = tpu.memref_slice %arg13[%dma_wait3A_170, %dma_wait3A_171] : memref<10112x64xf32, #tpu.memory_space<vmem_shared>> -> memref<10112x64xf32, #tpu.memory_space<vmem_shared>>
        tpu.wait_indirect_dma semaphore(%arg19 : memref<!tpu.dma_semaphore, #tpu.memory_space<semaphore_mem>>) src(%arg9 : memref<80x64xf32, #tpu.memory_space<vmem>>) dst(%dma_wait3A_172 : memref<10112x64xf32, #tpu.memory_space<vmem_shared>>)
      } else {
      }
      %add3A_135 = arith.constant 3 : i32
      %add3A_136 = arith.addi %add3A_121, %add3A_135 : i32
      %lt3A_137 = arith.constant 250 : i32
      %lt3A_138 = arith.cmpi slt, %add3A_136, %lt3A_137 : i32
      %convert_element_type3A_139 = arith.extui %lt3A_138 : i1 to i32
      %cond3A_140 = arith.constant 0 : i32
      %cond3A_141 = arith.cmpi ne, %convert_element_type3A_139, %cond3A_140 : i32
      scf.if %cond3A_141 {
        %add3A_166 = arith.constant 3 : i32
        %add3A_167 = arith.addi %add3A_121, %add3A_166 : i32
        %mul3A_168 = arith.constant 80 : i32
        %mul3A_169 = arith.muli %add3A_167, %mul3A_168 : i32
        %dma_start3A_170 = tpu.memref_slice %arg6[%mul3A_169] : memref<20000xi32, #tpu.memory_space<vmem>> -> memref<80xi32, #tpu.memory_space<vmem>>
        %dma_start3A_171 = arith.constant 0 : i32
        %dma_start3A_172 = arith.constant 0 : i32
        %dma_start3A_173 = tpu.memref_slice %arg2[%dma_start3A_171, %dma_start3A_172] : memref<20000x64xf32, #tpu.memory_space<hbm>> -> memref<20000x64xf32, #tpu.memory_space<hbm>>
        tpu.enqueue_indirect_dma source(%dma_start3A_173 : memref<20000x64xf32, #tpu.memory_space<hbm>>) target(%arg9 : memref<80x64xf32, #tpu.memory_space<vmem>>) offsets(%dma_start3A_170 : memref<80xi32, #tpu.memory_space<vmem>>) semaphore(%arg15 : memref<!tpu.dma_semaphore, #tpu.memory_space<semaphore_mem>>)
      } else {
      }
      %mul3A_142 = arith.constant 4 : i32
      %mul3A_143 = arith.muli %mul3A_142, %scan3A_74 : i32
      %add3A_144 = arith.constant 3 : i32
      %add3A_145 = arith.addi %mul3A_143, %add3A_144 : i32
      %lt3A_146 = arith.constant 250 : i32
      %lt3A_147 = arith.cmpi slt, %add3A_145, %lt3A_146 : i32
      %convert_element_type3A_148 = arith.extui %lt3A_147 : i1 to i32
      %cond3A_149 = arith.constant 0 : i32
      %cond3A_150 = arith.cmpi ne, %convert_element_type3A_148, %cond3A_149 : i32
      scf.if %cond3A_150 {
        %mul3A_166 = arith.constant 80 : i32
        %mul3A_167 = arith.muli %add3A_145, %mul3A_166 : i32
        %dma_wait3A_168 = tpu.memref_slice %arg6[%mul3A_167] : memref<20000xi32, #tpu.memory_space<vmem>> -> memref<80xi32, #tpu.memory_space<vmem>>
        %dma_wait3A_169 = arith.constant 0 : i32
        %dma_wait3A_170 = arith.constant 0 : i32
        %dma_wait3A_171 = tpu.memref_slice %arg2[%dma_wait3A_169, %dma_wait3A_170] : memref<20000x64xf32, #tpu.memory_space<hbm>> -> memref<20000x64xf32, #tpu.memory_space<hbm>>
        tpu.wait_indirect_dma semaphore(%arg17 : memref<!tpu.dma_semaphore, #tpu.memory_space<semaphore_mem>>) src(%dma_wait3A_171 : memref<20000x64xf32, #tpu.memory_space<hbm>>) dst(%arg11 : memref<80x64xf32, #tpu.memory_space<vmem>>)
        %dma_start3A_172 = arith.constant 0 : i32
        %dma_start3A_173 = tpu.memref_slice %arg7[%add3A_145, %dma_start3A_172] : memref<250x80xi32, #tpu.memory_space<vmem>> -> memref<1x80xi32, #tpu.memory_space<vmem>>
        %dma_start3A_174 = tpu.memref_squeeze %dma_start3A_173 : memref<1x80xi32, #tpu.memory_space<vmem>> -> memref<80xi32, #tpu.memory_space<vmem>>
        %dma_start3A_175 = arith.constant 0 : i32
        %dma_start3A_176 = arith.constant 0 : i32
        %dma_start3A_177 = tpu.memref_slice %arg13[%dma_start3A_175, %dma_start3A_176] : memref<10112x64xf32, #tpu.memory_space<vmem_shared>> -> memref<10112x64xf32, #tpu.memory_space<vmem_shared>>
        tpu.enqueue_indirect_dma source(%arg11 : memref<80x64xf32, #tpu.memory_space<vmem>>) target(%dma_start3A_177 : memref<10112x64xf32, #tpu.memory_space<vmem_shared>>) offsets(%dma_start3A_174 : memref<80xi32, #tpu.memory_space<vmem>>) semaphore(%arg21 : memref<!tpu.dma_semaphore, #tpu.memory_space<semaphore_mem>>) {add = true}
      } else {
      }
      %ge3A_151 = arith.constant 1 : i32
      %ge3A_152 = arith.cmpi sge, %add3A_145, %ge3A_151 : i32
      %lt3A_153 = arith.constant 251 : i32
      %lt3A_154 = arith.cmpi slt, %add3A_145, %lt3A_153 : i32
      %and3A_155 = arith.andi %ge3A_152, %lt3A_154 : i1
      %convert_element_type3A_156 = arith.extui %and3A_155 : i1 to i32
      %cond3A_157 = arith.constant 0 : i32
      %cond3A_158 = arith.cmpi ne, %convert_element_type3A_156, %cond3A_157 : i32
      scf.if %cond3A_158 {
        %sub3A = arith.constant 1 : i32
        %sub3A_166 = arith.subi %add3A_145, %sub3A : i32
        %dma_wait3A_167 = arith.constant 0 : i32
        %dma_wait3A_168 = tpu.memref_slice %arg7[%sub3A_166, %dma_wait3A_167] : memref<250x80xi32, #tpu.memory_space<vmem>> -> memref<1x80xi32, #tpu.memory_space<vmem>>
        %dma_wait3A_169 = tpu.memref_squeeze %dma_wait3A_168 : memref<1x80xi32, #tpu.memory_space<vmem>> -> memref<80xi32, #tpu.memory_space<vmem>>
        %dma_wait3A_170 = arith.constant 0 : i32
        %dma_wait3A_171 = arith.constant 0 : i32
        %dma_wait3A_172 = tpu.memref_slice %arg13[%dma_wait3A_170, %dma_wait3A_171] : memref<10112x64xf32, #tpu.memory_space<vmem_shared>> -> memref<10112x64xf32, #tpu.memory_space<vmem_shared>>
        tpu.wait_indirect_dma semaphore(%arg20 : memref<!tpu.dma_semaphore, #tpu.memory_space<semaphore_mem>>) src(%arg10 : memref<80x64xf32, #tpu.memory_space<vmem>>) dst(%dma_wait3A_172 : memref<10112x64xf32, #tpu.memory_space<vmem_shared>>)
      } else {
      }
      %add3A_159 = arith.constant 3 : i32
      %add3A_160 = arith.addi %add3A_145, %add3A_159 : i32
      %lt3A_161 = arith.constant 250 : i32
      %lt3A_162 = arith.cmpi slt, %add3A_160, %lt3A_161 : i32
      %convert_element_type3A_163 = arith.extui %lt3A_162 : i1 to i32
      %cond3A_164 = arith.constant 0 : i32
      %cond3A_165 = arith.cmpi ne, %convert_element_type3A_163, %cond3A_164 : i32
      scf.if %cond3A_165 {
        %add3A_166 = arith.constant 3 : i32
        %add3A_167 = arith.addi %add3A_145, %add3A_166 : i32
        %mul3A_168 = arith.constant 80 : i32
        %mul3A_169 = arith.muli %add3A_167, %mul3A_168 : i32
        %dma_start3A_170 = tpu.memref_slice %arg6[%mul3A_169] : memref<20000xi32, #tpu.memory_space<vmem>> -> memref<80xi32, #tpu.memory_space<vmem>>
        %dma_start3A_171 = arith.constant 0 : i32
        %dma_start3A_172 = arith.constant 0 : i32
        %dma_start3A_173 = tpu.memref_slice %arg2[%dma_start3A_171, %dma_start3A_172] : memref<20000x64xf32, #tpu.memory_space<hbm>> -> memref<20000x64xf32, #tpu.memory_space<hbm>>
        tpu.enqueue_indirect_dma source(%dma_start3A_173 : memref<20000x64xf32, #tpu.memory_space<hbm>>) target(%arg10 : memref<80x64xf32, #tpu.memory_space<vmem>>) offsets(%dma_start3A_170 : memref<80xi32, #tpu.memory_space<vmem>>) semaphore(%arg16 : memref<!tpu.dma_semaphore, #tpu.memory_space<semaphore_mem>>)
      } else {
      }
    }
    %scan3A_68 = arith.constant 63 : i32
    %barrier3A_69 = arith.constant 0 : index
    tpu.barrier barrier_id(%barrier3A_69)
    %mul3A_70 = arith.constant 632 : i32
    %mul3A_71 = arith.muli %arg1, %mul3A_70 : i32
    %mul3A_72 = arith.constant 632 : i32
    %mul3A_73 = arith.muli %arg1, %mul3A_72 : i32
    "tpu.region"() ({
      %run_scoped3A = tpu.sem_alloc : memref<!tpu.dma_semaphore, #tpu.memory_space<semaphore_mem>>
      %dma_start3A_74 = arith.constant 0 : i32
      %dma_start3A_75 = tpu.memref_slice %arg5[%arg0, %mul3A_73, %dma_start3A_74] : memref<2x10112x64xf32, #tpu.memory_space<hbm>> -> memref<1x632x64xf32, #tpu.memory_space<hbm>>
      %dma_start3A_76 = tpu.memref_squeeze %dma_start3A_75 : memref<1x632x64xf32, #tpu.memory_space<hbm>> -> memref<632x64xf32, #tpu.memory_space<hbm>>
      %dma_start3A_77 = arith.constant 0 : i32
      %dma_start3A_78 = tpu.memref_slice %arg13[%mul3A_71, %dma_start3A_77] : memref<10112x64xf32, #tpu.memory_space<vmem_shared>> -> memref<632x64xf32, #tpu.memory_space<vmem_shared>>
      tpu.enqueue_dma source(%dma_start3A_78 : memref<632x64xf32, #tpu.memory_space<vmem_shared>>) target(%dma_start3A_76 : memref<632x64xf32, #tpu.memory_space<hbm>>) target_semaphore(%run_scoped3A : memref<!tpu.dma_semaphore, #tpu.memory_space<semaphore_mem>>)
      %dma_wait3A_79 = arith.constant 0 : i32
      %dma_wait3A_80 = tpu.memref_slice %arg5[%arg0, %mul3A_73, %dma_wait3A_79] : memref<2x10112x64xf32, #tpu.memory_space<hbm>> -> memref<1x632x64xf32, #tpu.memory_space<hbm>>
      %dma_wait3A_81 = tpu.memref_squeeze %dma_wait3A_80 : memref<1x632x64xf32, #tpu.memory_space<hbm>> -> memref<632x64xf32, #tpu.memory_space<hbm>>
      %dma_wait3A_82 = arith.constant 0 : i32
      %dma_wait3A_83 = tpu.memref_slice %arg13[%mul3A_71, %dma_wait3A_82] : memref<10112x64xf32, #tpu.memory_space<vmem_shared>> -> memref<632x64xf32, #tpu.memory_space<vmem_shared>>
      tpu.wait_dma2 semaphore(%run_scoped3A : memref<!tpu.dma_semaphore, #tpu.memory_space<semaphore_mem>>) src(%dma_wait3A_83 : memref<632x64xf32, #tpu.memory_space<vmem_shared>>) dst(%dma_wait3A_81 : memref<632x64xf32, #tpu.memory_space<hbm>>)
      tpu.yield
    }) : () -> ()
    return
  }
}

module attributes {stable_mosaic.version = 14 : i64} {
  func.func @body(%arg0: i32, %arg1: memref<2x1000x64xf32, #tpu.memory_space<vmem>>, %arg2: memref<1000x128xf32, #tpu.memory_space<vmem>>, %arg3: memref<128x128xf32, #tpu.memory_space<vmem>>, %arg4: memref<1x128xf32, #tpu.memory_space<vmem>>, %arg5: memref<128x128xf32, #tpu.memory_space<vmem>>, %arg6: memref<1000x128xf32, #tpu.memory_space<vmem>>) attributes {dimension_semantics = [#tpu.dimension_semantics<arbitrary>], iteration_bounds = array<i64: 10>, scalar_prefetch = 0 : i64, scratch_operands = 0 : i64, tpu.core_type = #tpu.core_type<tc>, window_params = [{transform_indices = @transform_0, window_bounds = array<i64: 2, 1000, 64>}, {transform_indices = @transform_1, window_bounds = array<i64: 1000, 128>}, {pipeline_mode = #tpu.pipeline_mode<synchronous>, transform_indices = @transform_2, window_bounds = array<i64: 128, 128>}, {pipeline_mode = #tpu.pipeline_mode<synchronous>, transform_indices = @transform_3, window_bounds = array<i64: 1, 128>}, {pipeline_mode = #tpu.pipeline_mode<synchronous>, transform_indices = @transform_4, window_bounds = array<i64: 128, 128>}, {transform_indices = @transform_5, window_bounds = array<i64: 1000, 128>}]} {
    %get3A = arith.constant 0 : index
    %get3A_0 = arith.constant 0 : index
    %get3A_1 = arith.constant 0 : index
    %get3A_2 = vector.load %arg1[%get3A, %get3A_0, %get3A_1] : memref<2x1000x64xf32, #tpu.memory_space<vmem>>, vector<1x1000x64xf32>
    %get3A_3 = vector.shape_cast %get3A_2 : vector<1x1000x64xf32> to vector<1000x64xf32>
    %get3A_4 = arith.constant 1 : index
    %get3A_5 = arith.constant 0 : index
    %get3A_6 = arith.constant 0 : index
    %get3A_7 = vector.load %arg1[%get3A_4, %get3A_5, %get3A_6] : memref<2x1000x64xf32, #tpu.memory_space<vmem>>, vector<1x1000x64xf32>
    %get3A_8 = vector.shape_cast %get3A_7 : vector<1x1000x64xf32> to vector<1000x64xf32>
    %concatenate3A = tpu.concatenate %get3A_3, %get3A_8 in 1 : vector<1000x64xf32>, vector<1000x64xf32> -> vector<1000x128xf32>
    %get3A_9 = arith.constant 0 : index
    %get3A_10 = arith.constant 0 : index
    %get3A_11 = vector.load %arg3[%get3A_9, %get3A_10] : memref<128x128xf32, #tpu.memory_space<vmem>>, vector<128x128xf32>
    %dot_general3A = arith.constant dense<0.000000e+00> : vector<1000x128xf32>
    %dot_general3A_12 = tpu.matmul %concatenate3A, %get3A_11, %dot_general3A {dimension_numbers = #tpu.dot_dimension_numbers<[1], [1], [0], [0], [0, 0, 1, 0], [], []>, transpose_lhs_hint = false} : vector<1000x128xf32>, vector<128x128xf32>, vector<1000x128xf32> -> vector<1000x128xf32>
    %get3A_13 = arith.constant 0 : index
    %get3A_14 = arith.constant 0 : index
    %get3A_15 = vector.load %arg2[%get3A_13, %get3A_14] : memref<1000x128xf32, #tpu.memory_space<vmem>>, vector<1000x128xf32>
    %get3A_16 = arith.constant 0 : index
    %get3A_17 = arith.constant 0 : index
    %get3A_18 = vector.load %arg5[%get3A_16, %get3A_17] : memref<128x128xf32, #tpu.memory_space<vmem>>, vector<128x128xf32>
    %dot_general3A_19 = arith.constant dense<0.000000e+00> : vector<1000x128xf32>
    %dot_general3A_20 = tpu.matmul %get3A_15, %get3A_18, %dot_general3A_19 {dimension_numbers = #tpu.dot_dimension_numbers<[1], [1], [0], [0], [0, 0, 1, 0], [], []>, transpose_lhs_hint = false} : vector<1000x128xf32>, vector<128x128xf32>, vector<1000x128xf32> -> vector<1000x128xf32>
    %add3A = arith.addf %dot_general3A_12, %dot_general3A_20 : vector<1000x128xf32>
    %get3A_21 = arith.constant 0 : index
    %get3A_22 = arith.constant 0 : index
    %get3A_23 = vector.load %arg4[%get3A_21, %get3A_22] : memref<1x128xf32, #tpu.memory_space<vmem>>, vector<1x128xf32>
    %add3A_24 = vector.broadcast %get3A_23 : vector<1x128xf32> to vector<1000x128xf32>
    %add3A_25 = arith.addf %add3A, %add3A_24 : vector<1000x128xf32>
    %max3A = arith.constant 0.000000e+00 : f32
    %max3A_26 = vector.broadcast %max3A : f32 to vector<1000x128xf32>
    %max3A_27 = arith.maximumf %add3A_25, %max3A_26 : vector<1000x128xf32>
    %mul3A = arith.mulf %max3A_27, %max3A_27 : vector<1000x128xf32>
    %reduce_sum3A = arith.constant dense<0.000000e+00> : vector<1000xf32>
    %reduce_sum3A_28 = vector.multi_reduction <add>, %mul3A, %reduce_sum3A [1] : vector<1000x128xf32> to vector<1000xf32>
    %broadcast_in_dim3A = vector.shape_cast %reduce_sum3A_28 : vector<1000xf32> to vector<1000x1xf32>
    %sqrt3A = math.sqrt %broadcast_in_dim3A : vector<1000x1xf32>
    %max3A_29 = arith.constant 9.99999996E-13 : f32
    %max3A_30 = vector.broadcast %max3A_29 : f32 to vector<1000x1xf32>
    %max3A_31 = arith.maximumf %sqrt3A, %max3A_30 : vector<1000x1xf32>
    %div3A = vector.broadcast %max3A_31 : vector<1000x1xf32> to vector<1000x128xf32>
    %div3A_32 = arith.divf %max3A_27, %div3A : vector<1000x128xf32>
    %swap3A = arith.constant 0 : index
    %swap3A_33 = arith.constant 0 : index
    %swap3A_34 = vector.load %arg6[%swap3A, %swap3A_33] : memref<1000x128xf32, #tpu.memory_space<vmem>>, vector<1000x128xf32>
    tpu.vector_store %arg6[%swap3A, %swap3A_33], %div3A_32 {strides = array<i32>} : memref<1000x128xf32, #tpu.memory_space<vmem>>, vector<1000x128xf32>,
    return
  }
  func.func @transform_0(%arg0: i32) -> (i32, i32, i32) {
    %c0_i32 = arith.constant 0 : i32
    %c0_i32_0 = arith.constant 0 : i32
    %c0_i32_1 = arith.constant 0 : i32
    return %c0_i32, %arg0, %c0_i32_0 : i32, i32, i32
  }
  func.func @transform_1(%arg0: i32) -> (i32, i32) {
    %c0_i32 = arith.constant 0 : i32
    %c0_i32_0 = arith.constant 0 : i32
    return %arg0, %c0_i32 : i32, i32
  }
  func.func @transform_2(%arg0: i32) -> (i32, i32) {
    %c0_i32 = arith.constant 0 : i32
    %c0_i32_0 = arith.constant 0 : i32
    %c0_i32_1 = arith.constant 0 : i32
    return %c0_i32, %c0_i32_0 : i32, i32
  }
  func.func @transform_3(%arg0: i32) -> (i32, i32) {
    %c0_i32 = arith.constant 0 : i32
    %c0_i32_0 = arith.constant 0 : i32
    %c0_i32_1 = arith.constant 0 : i32
    return %c0_i32, %c0_i32_0 : i32, i32
  }
  func.func @transform_4(%arg0: i32) -> (i32, i32) {
    %c0_i32 = arith.constant 0 : i32
    %c0_i32_0 = arith.constant 0 : i32
    %c0_i32_1 = arith.constant 0 : i32
    return %c0_i32, %c0_i32_0 : i32, i32
  }
  func.func @transform_5(%arg0: i32) -> (i32, i32) {
    %c0_i32 = arith.constant 0 : i32
    %c0_i32_0 = arith.constant 0 : i32
    return %arg0, %c0_i32 : i32, i32
  }
}

module attributes {stable_mosaic.version = 14 : i64} {
  func.func @body(%arg0: i32, %arg1: memref<2x1000x64xf32, #tpu.memory_space<vmem>>, %arg2: memref<1000x128xf32, #tpu.memory_space<vmem>>, %arg3: memref<128x128xf32, #tpu.memory_space<vmem>>, %arg4: memref<1x128xf32, #tpu.memory_space<vmem>>, %arg5: memref<128x128xf32, #tpu.memory_space<vmem>>, %arg6: memref<1000x128xf32, #tpu.memory_space<vmem>>) attributes {dimension_semantics = [#tpu.dimension_semantics<arbitrary>], iteration_bounds = array<i64: 10>, scalar_prefetch = 0 : i64, scratch_operands = 0 : i64, tpu.core_type = #tpu.core_type<tc>, window_params = [{transform_indices = @transform_0, window_bounds = array<i64: 2, 1000, 64>}, {transform_indices = @transform_1, window_bounds = array<i64: 1000, 128>}, {pipeline_mode = #tpu.pipeline_mode<synchronous>, transform_indices = @transform_2, window_bounds = array<i64: 128, 128>}, {pipeline_mode = #tpu.pipeline_mode<synchronous>, transform_indices = @transform_3, window_bounds = array<i64: 1, 128>}, {pipeline_mode = #tpu.pipeline_mode<synchronous>, transform_indices = @transform_4, window_bounds = array<i64: 128, 128>}, {transform_indices = @transform_5, window_bounds = array<i64: 1000, 128>}]} {
    %get3A = arith.constant 0 : index
    %get3A_0 = arith.constant 0 : index
    %get3A_1 = arith.constant 0 : index
    %get3A_2 = vector.load %arg1[%get3A, %get3A_0, %get3A_1] : memref<2x1000x64xf32, #tpu.memory_space<vmem>>, vector<1x1000x64xf32>
    %get3A_3 = vector.shape_cast %get3A_2 : vector<1x1000x64xf32> to vector<1000x64xf32>
    %get3A_4 = arith.constant 1 : index
    %get3A_5 = arith.constant 0 : index
    %get3A_6 = arith.constant 0 : index
    %get3A_7 = vector.load %arg1[%get3A_4, %get3A_5, %get3A_6] : memref<2x1000x64xf32, #tpu.memory_space<vmem>>, vector<1x1000x64xf32>
    %get3A_8 = vector.shape_cast %get3A_7 : vector<1x1000x64xf32> to vector<1000x64xf32>
    %concatenate3A = tpu.concatenate %get3A_3, %get3A_8 in 1 : vector<1000x64xf32>, vector<1000x64xf32> -> vector<1000x128xf32>
    %get3A_9 = arith.constant 0 : index
    %get3A_10 = arith.constant 0 : index
    %get3A_11 = vector.load %arg3[%get3A_9, %get3A_10] : memref<128x128xf32, #tpu.memory_space<vmem>>, vector<128x128xf32>
    %dot_general3A = arith.constant dense<0.000000e+00> : vector<1000x128xf32>
    %dot_general3A_12 = tpu.matmul %concatenate3A, %get3A_11, %dot_general3A {dimension_numbers = #tpu.dot_dimension_numbers<[1], [1], [0], [0], [0, 0, 1, 0], [], []>, transpose_lhs_hint = false} : vector<1000x128xf32>, vector<128x128xf32>, vector<1000x128xf32> -> vector<1000x128xf32>
    %get3A_13 = arith.constant 0 : index
    %get3A_14 = arith.constant 0 : index
    %get3A_15 = vector.load %arg2[%get3A_13, %get3A_14] : memref<1000x128xf32, #tpu.memory_space<vmem>>, vector<1000x128xf32>
    %get3A_16 = arith.constant 0 : index
    %get3A_17 = arith.constant 0 : index
    %get3A_18 = vector.load %arg5[%get3A_16, %get3A_17] : memref<128x128xf32, #tpu.memory_space<vmem>>, vector<128x128xf32>
    %dot_general3A_19 = arith.constant dense<0.000000e+00> : vector<1000x128xf32>
    %dot_general3A_20 = tpu.matmul %get3A_15, %get3A_18, %dot_general3A_19 {dimension_numbers = #tpu.dot_dimension_numbers<[1], [1], [0], [0], [0, 0, 1, 0], [], []>, transpose_lhs_hint = false} : vector<1000x128xf32>, vector<128x128xf32>, vector<1000x128xf32> -> vector<1000x128xf32>
    %add3A = arith.addf %dot_general3A_12, %dot_general3A_20 : vector<1000x128xf32>
    %get3A_21 = arith.constant 0 : index
    %get3A_22 = arith.constant 0 : index
    %get3A_23 = vector.load %arg4[%get3A_21, %get3A_22] : memref<1x128xf32, #tpu.memory_space<vmem>>, vector<1x128xf32>
    %add3A_24 = vector.broadcast %get3A_23 : vector<1x128xf32> to vector<1000x128xf32>
    %add3A_25 = arith.addf %add3A, %add3A_24 : vector<1000x128xf32>
    %swap3A = arith.constant 0 : index
    %swap3A_26 = arith.constant 0 : index
    %swap3A_27 = vector.load %arg6[%swap3A, %swap3A_26] : memref<1000x128xf32, #tpu.memory_space<vmem>>, vector<1000x128xf32>
    tpu.vector_store %arg6[%swap3A, %swap3A_26], %add3A_25 {strides = array<i32>} : memref<1000x128xf32, #tpu.memory_space<vmem>>, vector<1000x128xf32>,
    return
  }
  func.func @transform_0(%arg0: i32) -> (i32, i32, i32) {
    %c0_i32 = arith.constant 0 : i32
    %c0_i32_0 = arith.constant 0 : i32
    %c0_i32_1 = arith.constant 0 : i32
    return %c0_i32, %arg0, %c0_i32_0 : i32, i32, i32
  }
  func.func @transform_1(%arg0: i32) -> (i32, i32) {
    %c0_i32 = arith.constant 0 : i32
    %c0_i32_0 = arith.constant 0 : i32
    return %arg0, %c0_i32 : i32, i32
  }
  func.func @transform_2(%arg0: i32) -> (i32, i32) {
    %c0_i32 = arith.constant 0 : i32
    %c0_i32_0 = arith.constant 0 : i32
    %c0_i32_1 = arith.constant 0 : i32
    return %c0_i32, %c0_i32_0 : i32, i32
  }
  func.func @transform_3(%arg0: i32) -> (i32, i32) {
    %c0_i32 = arith.constant 0 : i32
    %c0_i32_0 = arith.constant 0 : i32
    %c0_i32_1 = arith.constant 0 : i32
    return %c0_i32, %c0_i32_0 : i32, i32
  }
  func.func @transform_4(%arg0: i32) -> (i32, i32) {
    %c0_i32 = arith.constant 0 : i32
    %c0_i32_0 = arith.constant 0 : i32
    %c0_i32_1 = arith.constant 0 : i32
    return %c0_i32, %c0_i32_0 : i32, i32
  }
  func.func @transform_5(%arg0: i32) -> (i32, i32) {
    %c0_i32 = arith.constant 0 : i32
    %c0_i32_0 = arith.constant 0 : i32
    return %arg0, %c0_i32 : i32, i32
  }
}

</mosaic_0001>

<sc_bundles>
// kernel: kernel.6.cloned.1.call-start
scs
__scs_entry_jumppad:
0x0: {  	(pc) =	sbr.rel $0x88, $3  }
0x1: {  	(tag) =	ssettag $0x0;
	lr =	simm.s32 $0x1  }
0x2: {  	[smem:$0x3F99] =	sst lr;
	_ =	strace $0xD0000000  }
0x3: {  	_ = 	snop  }
0x4: {  	_ = 	snop  }
0x5: {  	_ = 	snop  }
0x6: {  	_ = 	snop  }
0x7: {  	_ = 	snop  }
__scs_overlays_trampoline_lowered:
0x8: {  	[smem:$0x3FA8] =	sst s0  }
0x9: {  	[smem:$0x3FA9] =	sst s1  }
0xa: {  	[smem:$0x3FAA] =	sst s2  }
0xb: {  	[smem:$0x3FAB] =	sst s3  }
0xc: {  	[smem:$0x3FAC] =	sst s4  }
0xd: {  	[smem:$0x3FAD] =	sst s5  }
0xe: {  	[smem:$0x3FAE] =	sst s6  }
0xf: {  	[smem:$0x3FAF] =	sst s7  }
0x10: {  	[smem:$0x3FB0] =	sst s8  }
0x11: {  	[smem:$0x3FB1] =	sst s9;
	s0 =	simm.s32 @!p0 $0x0  }
0x12: {  	s1 =	sld [smem:$0x3F97];
	s0 =	simm.s32 @p0 $0x1  }
0x13: {  	[smem:$0x3FB2] =	sst s0;
	s0 =	simm.s32 @!p1 $0x0  }
0x14: {  	s2 =	sld [smem:$0x3F96];
	s0 =	simm.s32 @p1 $0x1  }
0x15: {  	[smem:$0x3FB3] =	sst s0;
	s0 =	simm.s32 @!p2 $0x0  }
0x16: {  	s3 =	sld [smem:$0x3FDB];
	s0 =	simm.s32 @p2 $0x1  }
0x17: {  	s4 =	simm.s32 $0x1BF5;
	[smem:$0x3FB5] =	sst s0  }
0x18: {  	s0 =	sld [smem:$0x3F98];
	_ =	swait.ge [sflag:s4], $0x0  }
0x19: {  	s7 =	sld [smem:$0x3F99]  }
0x1a: {  	s8 =	sadd.s32 $0xFFFFE003, lr  }
0x1b: {  	s9 =	sadd.s32 $0xFFFFFEF7, lr;
	s5 =	simm.s32 $0xFFFFFFFF;
	p2 =	slt.u32 s8, $0xFFFFF086  }
0x1c: {  	p1 =	slt.u32 s9, $0xF7A;
	s5 =	simm.s32 @!p2 $0x0  }
0x1d: {  	s5 =	simm.s32 @p1 $0x1;
	p0 =	seq.s32 s7, s2  }
0x1e: {  	s7 =	smul.u32 @!p0 $0xF7A, s2;
	p2 =	seq.s32 @!p0 s5, $0x0  }
0x1f: {  	s9 =	smul.u32 $0xF7A, s1;
	s8 =	simm.s32 @!p0 $0x1BF5;
	p2 =	por !p2, p0  }
0x20: {  	[sflag:s8] =	ssyncset.s32 @!p0 $0xFFFFF086;
	s6 =	sadd.s32 @!p0 s3, s7;
	s7 =	simm.s32 @!p0 $0x108  }
0x21: {  	s3 =	sadd.s32 s3, s9;
	s6 =	sadd.s32 @!p0 $0x88, s6;
	s7 =	simm.s32 @p2 $0x1082  }
0x22: {  	[simem:s7], [sflag:s8] =	dma.local @!p0 [hbm:s6], $0xF7A  }
0x23: {  	s9 =	sor.u32 $0xD0000000, s2;
	s6 =	simm.s32 $0x108;
	_ =	swait.ge @!p0 [sflag:s8], $0x0  }
0x24: {  	s3 =	sadd.s32 $0x88, s3;
	s6 =	simm.s32 @!p1 $0x1082;
	[sflag:s4] =	ssyncset.s32 $0xFFFFF086  }
0x25: {  	[simem:s6], [sflag:s4] =	dma.local [hbm:s3], $0xF7A  }
0x26: {  	[smem:$0x3F99] =	sst s1;
	(tag) =	ssettag s2;
	_ =	strace s9  }
0x27: {  	s1 =	sld [smem:$0x3FA9]  }
0x28: {  	s2 =	sld [smem:$0x3FAA]  }
0x29: {  	s4 =	sld [smem:$0x3FAC]  }
0x2a: {  	p0 =	seq.s32 s5, $0x0;
	s5 =	sld [smem:$0x3FAD]  }
0x2b: {  	s6 =	sld [smem:$0x3FAE]  }
0x2c: {  	s7 =	sld [smem:$0x3FAF]  }
0x2d: {  	s3 =	simm.s32 $0x108;
	s8 =	sld [smem:$0x3FB0]  }
0x2e: {  	s3 =	simm.s32 @!p0 $0x1082;
	s9 =	sld [smem:$0x3FB1]  }
0x2f: {  	lr =	sadd.s32 s0, s3;
	s0 =	sld [smem:$0x3FA8]  }
0x30: {  	s3 =	sld [smem:$0x3FAB]  }
0x31: {  	[smem:$0x3FB4] =	sst s10  }
0x32: {  	s10 =	sld [smem:$0x3FB2];
	_ =	sdelay $0x3  }
0x33: {  	p0 =	seq.s32 s10, $0x1;
	s10 =	sld [smem:$0x3FB4];
	_ =	sdelay $0x3  }
0x34: {  	[smem:$0x3FB4] =	sst s10  }
0x35: {  	s10 =	sld [smem:$0x3FB3];
	_ =	sdelay $0x3  }
0x36: {  	p1 =	seq.s32 s10, $0x1;
	s10 =	sld [smem:$0x3FB4];
	_ =	sdelay $0x3  }
0x37: {  	[smem:$0x3FB4] =	sst s10  }
0x38: {  	s10 =	sld [smem:$0x3FB5]  }
0x39: {  	_ = 	snop;
	(pc) =	sbr.ind lr, $3  }
0x3a: {  	_ = 	snop  }
0x3b: {  	_ = 	snop  }
0x3c: {  	p2 =	seq.s32 s10, $0x1;
	s10 =	sld [smem:$0x3FB4]  }
0x3d: {  	_ =	shalt  }
0x3e: {  	_ =	shalt  }
0x3f: {  	_ =	shalt  }
0x40: {  	_ =	shalt  }
0x41: {  	_ =	shalt  }
0x42: {  	_ =	shalt  }
0x43: {  	_ =	shalt  }
0x44: {  	_ =	shalt  }
0x45: {  	_ =	shalt  }
0x46: {  	_ =	shalt  }
0x47: {  	_ =	shalt  }
0x48: {  	_ =	shalt  }
0x49: {  	_ =	shalt  }
0x4a: {  	_ =	shalt  }
0x4b: {  	_ =	shalt  }
0x4c: {  	_ =	shalt  }
0x4d: {  	_ =	shalt  }
0x4e: {  	_ =	shalt  }
0x4f: {  	_ =	shalt  }
0x50: {  	_ =	shalt  }
0x51: {  	_ =	shalt  }
0x52: {  	_ =	shalt  }
0x53: {  	_ =	shalt  }
0x54: {  	_ =	shalt  }
0x55: {  	_ =	shalt  }
0x56: {  	_ =	shalt  }
0x57: {  	_ =	shalt  }
0x58: {  	_ =	shalt  }
0x59: {  	_ =	shalt  }
0x5a: {  	_ =	shalt  }
0x5b: {  	_ =	shalt  }
0x5c: {  	_ =	shalt  }
0x5d: {  	_ =	shalt  }
0x5e: {  	_ =	shalt  }
0x5f: {  	_ =	shalt  }
0x60: {  	_ =	shalt  }
0x61: {  	_ =	shalt  }
0x62: {  	_ =	shalt  }
0x63: {  	_ =	shalt  }
0x64: {  	_ =	shalt  }
0x65: {  	_ =	shalt  }
0x66: {  	_ =	shalt  }
0x67: {  	_ =	shalt  }
0x68: {  	_ =	shalt  }
0x69: {  	_ =	shalt  }
0x6a: {  	_ =	shalt  }
0x6b: {  	_ =	shalt  }
0x6c: {  	_ =	shalt  }
0x6d: {  	_ =	shalt  }
0x6e: {  	_ =	shalt  }
0x6f: {  	_ =	shalt  }
0x70: {  	_ =	shalt  }
0x71: {  	_ =	shalt  }
0x72: {  	_ =	shalt  }
0x73: {  	_ =	shalt  }
0x74: {  	_ =	shalt  }
0x75: {  	_ =	shalt  }
0x76: {  	_ =	shalt  }
0x77: {  	_ =	shalt  }
0x78: {  	_ =	shalt  }
0x79: {  	_ =	shalt  }
0x7a: {  	_ =	shalt  }
0x7b: {  	_ =	shalt  }
0x7c: {  	_ =	shalt  }
0x7d: {  	_ =	shalt  }
0x7e: {  	_ =	shalt  }
0x7f: {  	_ =	shalt  }
0x80: {  	_ =	shalt  }
0x81: {  	_ =	shalt  }
0x82: {  	_ =	shalt  }
0x83: {  	_ =	shalt  }
0x84: {  	_ =	shalt  }
0x85: {  	_ =	shalt  }
0x86: {  	_ =	shalt  }
0x87: {  	_ =	shalt  }
.Lfunc_end0:
.L_simem_size_0:
called_computation_lowered:
.L_overlay_start_0:
0x88: {  	s2 =	sld [smem:$0x3FD9]  }
0x89: {  	s3 =	sld [smem:$0x3FFE];
	_ =	sdelay $0x1  }
0x8a: {  	s1 =	srdreg.scid  }
0x8b: {  	s0 =	sand.u32 $0x1, s1  }
0x8c: {  	s17 =	sshll.u32 s0, $0xA;
	s2 =	sadd.s32 s3, s2  }
0x8d: {  	s2 =	sadd.s32 s2, s17  }
0x8e: {  	[smem:$0x3FC0] =	sst s2  }
0x8f: {  	_ = 	snop  }
0x90: {  	s2 =	sld [smem:$0x3FC9];
	(tm) =	ssettm $0x1  }
0x91: {  	s18 =	sld [smem:$0x3FFB];
	_ =	sdelay $0x3  }
0x92: {  	_ =	strace s18  }
0x93: {  	s3 =	sld [smem:$0x3FFC];
	_ =	sdelay $0x3  }
0x94: {  	_ =	strace s3  }
0x95: {  	s3 =	sld [smem:$0x3FFD];
	_ =	sdelay $0x3  }
0x96: {  	_ =	strace s3  }
0x97: {  	_ =	strace $0x8FFFFFFF  }
0x98: {  	s19 =	sld [smem:$0x3FDB];
	_ =	sdelay $0x1  }
0x99: {  	s4 =	simm.s32 $_scs_section_size  }
0x9a: {  	s5 =	simm.s32 $_size__tile_overlayer_lowered;
	s6 =	simm.s32 $_tile_overlayer_lowered  }
0x9b: {  	s22 =	simm.s32 $0x1BFF;
	s21 =	sshll.u32 s6, $0x1;
	s3 =	sadd.s32 s4, s19  }
0x9c: {  	s7 =	simm.s32 $0x0;
	s20 =	sshll.u32 s5, $0x1;
	s5 =	sadd.s32 s21, s3  }
0x9d: {  	[timem:s7], [sflag:s22] =	dma.local [hbm:s5], s20  }
0x9e: {  	_ =	swait.ge [sflag:s22], s20  }
0x9f: {  	s4 =	ssub.s32 $0x0, s20;
	[sflag:s22] =	ssyncset.done $0x0  }
0xa0: {  	[sflag:s22] =	ssyncadd.s32 s4;
	_ =	sdelay $0x1  }
0xa1: {  	s23 =	simm.s32 $0x1B8B  }
0xa2: {  	_ =	swait.ge [sflag:s23], $0x1  }
0xa3: {  	[sflag:s23] =	ssyncset.done $0x0  }
0xa4: {  	s25 =	simm.s32 $0x1B8E;
	s24 =	sld [smem:$0x3FFE];
	[sflag:s23] =	ssyncadd.s32 $0xFFFFFFFF  }
0xa5: {  	s26 =	simm.s32 $execute0_lowered;
	[smem:$0x3FD2] =	sst s25  }
0xa6: {  	s5 =	sshll.u32 s26, $0x1;
	_ =	strace $0x80000046;
	[dreg:$0x1] =	wrdreg $0xFFFFFFFF  }
0xa7: {  	s28 =	simm.s32 $_size_execute0_lowered;
	s3 =	sadd.s32 s3, s5;
	[dreg:$0x0] =	wrdreg $0x0  }
0xa8: {  	s5 =	sshll.u32 s28, $0x1;
	[dreg:$0x2] =	wrdreg s3  }
0xa9: {  	[dreg:$0x3] =	wrdreg s5  }
0xaa: {  	[dreg:$0x4] =	wrdreg $0xC0  }
0xab: {  	_ =	task [dreg:s7], $0x5FFFF  }
0xac: {  	[dreg:$0x1] =	wrdreg $0xFFFFFFFF  }
0xad: {  	[dreg:$0x0] =	wrdreg $0x60  }
0xae: {  	[dreg:$0x2] =	wrdreg s2  }
0xaf: {  	[dreg:$0x3] =	wrdreg s24  }
0xb0: {  	[dreg:$0x4] =	wrdreg $0x114400  }
0xb1: {  	[dreg:$0x5] =	wrdreg $0x9  }
0xb2: {  	_ =	task.clear_ibuf [dreg:s7], $0x6FFFF;
	_ =	strace $0x90000046  }
0xb3: {  	s29 =	simm.s32 $0x9;
	_ =	strace $0x80000048  }
0xb4: {  	_ =	swait.ge [sflag:s29], $0x1  }
0xb5: {  	[sflag:s29] =	ssyncadd.s32 $0xFFFFFFFF  }
0xb6: {  	_ =	strace $0x90000048  }
0xb7: {  	_ =	sfence  }
0xb8: {  	s30 =	sld [smem:$0x0];
	_ =	sdelay $0x2  }
0xb9: {  	s31 =	sshll.u32 s1, $0xD;
	s1 =	sshrl.u32 s1, $0x2  }
0xba: {  	s3 =	sand.u32 $0x4000, s31;
	s1 =	sadd.s32 s1, s30  }
0xbb: {  	s0 =	sor.u32 s3, s0;
	s1 =	sshll.u32 s1, $0x11  }
0xbc: {  	s0 =	sor.u32 s1, s0  }
0xbd: {  	s0 =	sadd.s32 $0x8F2B, s0  }
0xbe: {  	[sflag:s0] =	ssyncadd.remote.s32 $0x1  }
0xbf: {  	_ =	sfence.sel $0xFFFF  }
0xc0: {  	[dreg:$0x0] =	wrdreg $0xFFFFFFFF;
	(pc) =	sbr.abs _section_cstart, $3  }
0xc1: {  	[dreg:$0x1] =	wrdreg $0xFFFFFFFF  }
0xc2: {  	_ =	task.clear_ibuf [dreg:s7], $0x2FFFF;
	_ =	strace $0x9FFFFFFF  }
0xc3: {  	(tm) =	ssettm $0x7FFFFFFF  }
tec
execute0_lowered:
.L_overlay_start_1:
0x0: {  	(tag) =	ssettag $0x1  }
0x1: {  	s1 =	rddreg [dreg:$0x0]  }
0x2: {  	s0 =	srdreg.scid;
	s5 =	rddreg [dreg:$0x1]  }
0x3: {  	s4 =	stileid.u32;
	s3 =	rddreg [dreg:$0x2]  }
0x4: {  	s6 =	simm.s32 $0x0;
	s14 =	simm.s32 $0xEC40;
	s15 =	simm.s32 $0x9  }
0x5: {  	s16 =	simm.s32 $0x1;
	s17 =	simm.s32 $0x2;
	s18 =	simm.s32 $0x50  }
0x6: {  	s19 =	simm.s32 $0x9C40;
	s20 =	simm.s32 $0xB040;
	s22 =	simm.s32 $0xC440  }
0x7: {  	s23 =	simm.s32 $0xD840;
	s24 =	simm.s32 $0x5;
	s28 =	simm.s32 $0x4  }
0x8: {  	s29 =	simm.s32 $0x7;
	s30 =	simm.s32 $0x8;
	s7 =	smul.u32 $0x9E00, s4  }
0x9: {  	s21 =	simm.s32 $0x0;
	s0 =	sand.u32 $0x1, s0;
	s8 =	smul.u32 $0x9C4, s4  }
0xa: {  	[smem:$0x7FF] =	sst s6;
	s9 =	smul.u32 $0x27800, s4;
	s2 =	sshll.u32 s0, $0x4  }
0xb: {  	s25 =	smul.u32 $0x9E000, s0;
	_ =	strace $0x80000047;
	s0 =	ssub.s32 $0x2, s0  }
0xc: {  	s2 =	sor.u32 s4, s2;
	s8 =	sadd.s32 s8, s5;
	s26 =	sshrl.u32 s0, $0x1  }
0xd: {  	s31 =	sshrl.u32 s9, $0x2;
	s2 =	smul.u32 $0x9C4, s2;
	s6 =	sadd.s32 s7, s25  }
0xe: {  	s0 =	ssub.s32 s0, s26;
	s7 =	sadd.s32 s7, s3;
	s25 =	simm.s32 $0x3  }
0xf: {  	s26 =	simm.s32 $0x6;
	s6 =	sshrl.u32 s6, $0x3;
	s12 =	smax.u32 s0, $0x1  }
0x10: {  	s2 =	sadd.s32 s2, s5;
	s11 =	sadd.s32 s6, s5;
	s6 =	sadd.s32 $0x1800, s8  }
0x11: {  	s5 =	sadd.s32 $0xB600, s2;
	s2 =	sadd.s32 s31, s3;
	s11 =	sadd.s32 $0x1F000, s11  }
0x12: {  	v0 =	vimm.f32 $0.0e+00;
	s8 =	sadd.s32 $0x2800, s2;
	s9 =	sadd.s32 $0x5000, s2;
	s10 =	sadd.s32 $0x7800, s2  }
.LBB2_1:
0x13: {  	s0 =	simm.s32 $0x0  }
0x14: {  	[tilespmem:s0], [sflag:$0x1] =	stream.linear.gather [hbm4b:s5+s0], $0x4E20, $0x38;
	[tilespmem:$0x1B240] =	vst v63  }
0x15: {  	s2 =	simm.s32 $0x4E20  }
0x16: {  	[tilespmem:s2], [sflag:$0x2] =	stream.linear.gather [hbm4b:s6+s0], $0x4E20, $0x38;
	[tilespmem:$0x1B240] =	vst v63  }
0x17: {  	s13 =	simm.s32 $0x100;
	s2 =	simm.s32 $0x0  }
.LBB2_2:
0x18: {  	p0 =	sne.s32 s13, $0x9F00;
	[tilespmem:s2+$0xEC70] =	vst v0;
	s31 =	smov.u32 s13;
	s13 =	sadd.s32 $0x100, s13  }
.Ltmp0:
0x19: {  	[tilespmem:s2+$0xEC60] =	vst v0;
	(pc) =	sbr.rel @p0 .LBB2_2-.Ltmp0, $3  }
0x1a: {  	[tilespmem:s2+$0xEC40] =	vst v0  }
0x1b: {  	[tilespmem:s2+$0xEC50] =	vst v0;
	_ =	sdelay $0x1  }
0x1c: {  	s2 =	sshra.s32 s31, $0x2  }
0x1d: {  	[tilespmem:s2+$0xEC70] =	vst v0  }
0x1e: {  	[tilespmem:s2+$0xEC60] =	vst v0  }
0x1f: {  	[tilespmem:s2+$0xEC40] =	vst v0  }
0x20: {  	[tilespmem:s2+$0xEC50] =	vst v0  }
0x21: {  	[spmem:s7] =	stream.linear.scatter [tilespmem:s14], [sflag:$0x9], $0x2800, $0x38;
	[tilespmem:$0x1B240] =	vst v63  }
0x22: {  	_ =	swait.ge [sflag:s15], $0x2800  }
0x23: {  	[sflag:s15] =	ssyncset.done $0x0  }
0x24: {  	[sflag:s15] =	ssyncadd.s32 $0xFFFFD800  }
0x25: {  	[spmem:s8] =	stream.linear.scatter [tilespmem:s14], [sflag:$0x9], $0x2800, $0x38;
	[tilespmem:$0x1B240] =	vst v63  }
0x26: {  	_ =	swait.ge [sflag:s15], $0x2800  }
0x27: {  	[sflag:s15] =	ssyncset.done $0x0  }
0x28: {  	[sflag:s15] =	ssyncadd.s32 $0xFFFFD800  }
0x29: {  	[spmem:s9] =	stream.linear.scatter [tilespmem:s14], [sflag:$0x9], $0x2800, $0x38;
	[tilespmem:$0x1B240] =	vst v63  }
0x2a: {  	_ =	swait.ge [sflag:s15], $0x2800  }
0x2b: {  	[sflag:s15] =	ssyncset.done $0x0  }
0x2c: {  	[sflag:s15] =	ssyncadd.s32 $0xFFFFD800  }
0x2d: {  	[spmem:s10] =	stream.linear.scatter [tilespmem:s14], [sflag:$0x9], $0x2600, $0x38;
	[tilespmem:$0x1B240] =	vst v63  }
0x2e: {  	_ =	swait.ge [sflag:s15], $0x2600  }
0x2f: {  	[sflag:s15] =	ssyncset.done $0x0  }
0x30: {  	[sflag:s15] =	ssyncadd.s32 $0xFFFFDA00  }
0x31: {  	_ =	swait.ge [sflag:s16], $0x4E20  }
0x32: {  	[sflag:s16] =	ssyncset.done $0x0  }
0x33: {  	[sflag:s16] =	ssyncadd.s32 $0xFFFFB1E0  }
0x34: {  	_ =	swait.ge [sflag:s17], $0x4E20  }
0x35: {  	[sflag:s17] =	ssyncset.done $0x0  }
0x36: {  	[sflag:s17] =	ssyncadd.s32 $0xFFFFB1E0  }
0x37: {  	s0 =	simm.s32 $0x0;
	[bflag:$0x0] =	sbarrier.arrive $0xFFFF  }
0x38: {  	[tilespmem:s19], [sflag:$0x1] =	stream.indirect.gather [hbm4b:s1+s18], $0x40, s0, s18, $0xb8;
	[tilespmem:$0x1B240] =	vst v63  }
0x39: {  	_ = 	snop  }
0x3a: {  	[tilespmem:s20], [sflag:$0x2] =	stream.indirect.gather [hbm4b:s1+s18], $0x40, s18, s18, $0xb8;
	[tilespmem:$0x1B240] =	vst v63  }
0x3b: {  	s0 =	simm.s32 $0xA0  }
0x3c: {  	[tilespmem:s22], [sflag:$0x3] =	stream.indirect.gather [hbm4b:s1+s18], $0x40, s0, s18, $0xb8;
	[tilespmem:$0x1B240] =	vst v63  }
0x3d: {  	_ =	swait.ge [sflag:s16], $0x1400  }
0x3e: {  	p0 =	por $0x1, $0x1;
	[sflag:s16] =	ssyncset.done $0x0  }
0x3f: {  	s4 =	simm.s32 $0x4E20;
	s13 =	simm.s32 @!p0 $0x8;
	[sflag:s16] =	ssyncadd.s32 $0xFFFFEC00  }
0x40: {  	[spmem:s3] =	stream.indirect.scatter.add.f32 [tilespmem:s19], [sflag:$0x5], $0x40, s4, s18, $0xb8;
	[tilespmem:$0x1B240] =	vst v63  }
0x41: {  	_ =	swait.ge @!p0 [sflag:s13], $0x1400  }
0x42: {  	[sflag:s13] =	ssyncset.done @!p0 $0x0  }
0x43: {  	s0 =	simm.s32 $0xF0;
	[sflag:s13] =	ssyncadd.s32 @!p0 $0xFFFFEC00  }
0x44: {  	[tilespmem:s23], [sflag:$0x4] =	stream.indirect.gather [hbm4b:s1+s18], $0x40, s0, s18, $0xb8;
	[tilespmem:$0x1B240] =	vst v63  }
0x45: {  	_ =	swait.ge [sflag:s17], $0x1400  }
0x46: {  	[sflag:s17] =	ssyncset.done $0x0  }
0x47: {  	s4 =	simm.s32 $0x4E70;
	[sflag:s17] =	ssyncadd.s32 $0xFFFFEC00  }
0x48: {  	[spmem:s3] =	stream.indirect.scatter.add.f32 [tilespmem:s20], [sflag:$0x6], $0x40, s4, s18, $0xb8;
	[tilespmem:$0x1B240] =	vst v63  }
0x49: {  	_ =	swait.ge [sflag:s24], $0x1400  }
0x4a: {  	[sflag:s24] =	ssyncset.done $0x0  }
0x4b: {  	s13 =	simm.s32 $0x140;
	[sflag:s24] =	ssyncadd.s32 $0xFFFFEC00  }
0x4c: {  	[tilespmem:s19], [sflag:$0x1] =	stream.indirect.gather [hbm4b:s1+s18], $0x40, s13, s18, $0xb8;
	[tilespmem:$0x1B240] =	vst v63  }
0x4d: {  	_ =	swait.ge [sflag:s25], $0x1400  }
0x4e: {  	[sflag:s25] =	ssyncset.done $0x0  }
0x4f: {  	s0 =	simm.s32 $0x4EC0;
	[sflag:s25] =	ssyncadd.s32 $0xFFFFEC00  }
0x50: {  	[spmem:s3] =	stream.indirect.scatter.add.f32 [tilespmem:s22], [sflag:$0x7], $0x40, s0, s18, $0xb8;
	[tilespmem:$0x1B240] =	vst v63  }
0x51: {  	_ =	swait.ge [sflag:s26], $0x1400  }
0x52: {  	[sflag:s26] =	ssyncset.done $0x0  }
0x53: {  	s4 =	simm.s32 $0x190;
	[sflag:s26] =	ssyncadd.s32 $0xFFFFEC00  }
0x54: {  	[tilespmem:s20], [sflag:$0x2] =	stream.indirect.gather [hbm4b:s1+s18], $0x40, s4, s18, $0xb8;
	[tilespmem:$0x1B240] =	vst v63  }
0x55: {  	_ =	swait.ge [sflag:s28], $0x1400  }
0x56: {  	[sflag:s28] =	ssyncset.done $0x0  }
0x57: {  	s13 =	simm.s32 $0x4F10;
	[sflag:s28] =	ssyncadd.s32 $0xFFFFEC00  }
0x58: {  	[spmem:s3] =	stream.indirect.scatter.add.f32 [tilespmem:s23], [sflag:$0x8], $0x40, s13, s18, $0xb8;
	[tilespmem:$0x1B240] =	vst v63  }
0x59: {  	s2 =	simm.s32 $0xFFFFFFFE;
	_ =	swait.ge [sflag:s29], $0x1400  }
0x5a: {  	s31 =	simm.s32 $0x500;
	s13 =	simm.s32 $0x1E0;
	[sflag:s29] =	ssyncset.done $0x0  }
.LBB2_4:
0x5b: {  	[sflag:s29] =	ssyncadd.s32 $0xFFFFEC00  }
0x5c: {  	s2 =	sadd.s32 $0x4, s2;
	s0 =	smov.u32 s31;
	s31 =	sadd.s32 $0x500, s31  }
0x5d: {  	[tilespmem:s22], [sflag:$0x3] =	stream.indirect.gather [hbm4b:s1+s18], $0x40, s13, s18, $0xb8;
	[tilespmem:$0x1B240] =	vst v63  }
0x5e: {  	s13 =	sshra.s32 s0, $0x2;
	p0 =	sne.s32 s31, $0x13100;
	_ =	swait.ge [sflag:s16], $0x1400  }
0x5f: {  	p1 =	sgt.u32 s2, $0xF9;
	s0 =	sadd.s32 $0x4E20, s13;
	[sflag:s16] =	ssyncset.done $0x0  }
0x60: {  	s4 =	simm.s32 @!p1 $0x8;
	[sflag:s16] =	ssyncadd.s32 $0xFFFFEC00  }
0x61: {  	[spmem:s3] =	stream.indirect.scatter.add.f32 [tilespmem:s19], [sflag:$0x5], $0x40, s0, s18, $0xb8;
	[tilespmem:$0x1B240] =	vst v63  }
0x62: {  	_ =	swait.ge @!p1 [sflag:s4], $0x1400  }
0x63: {  	s0 =	sadd.s32 $0xF0, s13;
	[sflag:s4] =	ssyncset.done @!p1 $0x0  }
0x64: {  	[sflag:s4] =	ssyncadd.s32 @!p1 $0xFFFFEC00  }
0x65: {  	[tilespmem:s23], [sflag:$0x4] =	stream.indirect.gather [hbm4b:s1+s18], $0x40, s0, s18, $0xb8;
	[tilespmem:$0x1B240] =	vst v63  }
0x66: {  	_ =	swait.ge [sflag:s17], $0x1400  }
0x67: {  	s0 =	sadd.s32 $0x4E70, s13;
	[sflag:s17] =	ssyncset.done $0x0  }
0x68: {  	[sflag:s17] =	ssyncadd.s32 $0xFFFFEC00  }
0x69: {  	[spmem:s3] =	stream.indirect.scatter.add.f32 [tilespmem:s20], [sflag:$0x6], $0x40, s0, s18, $0xb8;
	[tilespmem:$0x1B240] =	vst v63  }
0x6a: {  	_ =	swait.ge [sflag:s24], $0x1400  }
0x6b: {  	s0 =	sadd.s32 $0x140, s13;
	[sflag:s24] =	ssyncset.done $0x0  }
0x6c: {  	[sflag:s24] =	ssyncadd.s32 $0xFFFFEC00  }
0x6d: {  	[tilespmem:s19], [sflag:$0x1] =	stream.indirect.gather [hbm4b:s1+s18], $0x40, s0, s18, $0xb8;
	[tilespmem:$0x1B240] =	vst v63  }
0x6e: {  	_ =	swait.ge [sflag:s25], $0x1400  }
0x6f: {  	s0 =	sadd.s32 $0x4EC0, s13;
	[sflag:s25] =	ssyncset.done $0x0  }
0x70: {  	[sflag:s25] =	ssyncadd.s32 $0xFFFFEC00  }
0x71: {  	[spmem:s3] =	stream.indirect.scatter.add.f32 [tilespmem:s22], [sflag:$0x7], $0x40, s0, s18, $0xb8;
	[tilespmem:$0x1B240] =	vst v63  }
0x72: {  	_ =	swait.ge [sflag:s26], $0x1400  }
0x73: {  	s0 =	sadd.s32 $0x190, s13;
	[sflag:s26] =	ssyncset.done $0x0  }
0x74: {  	[sflag:s26] =	ssyncadd.s32 $0xFFFFEC00  }
0x75: {  	[tilespmem:s20], [sflag:$0x2] =	stream.indirect.gather [hbm4b:s1+s18], $0x40, s0, s18, $0xb8;
	[tilespmem:$0x1B240] =	vst v63  }
0x76: {  	_ =	swait.ge [sflag:s28], $0x1400  }
.Ltmp1:
0x77: {  	s0 =	sadd.s32 $0x4F10, s13;
	[sflag:s28] =	ssyncset.done $0x0;
	(pc) =	sbr.rel @p0 .LBB2_4-.Ltmp1, $4  }
0x78: {  	[sflag:s28] =	ssyncadd.s32 $0xFFFFEC00  }
0x79: {  	[spmem:s3] =	stream.indirect.scatter.add.f32 [tilespmem:s23], [sflag:$0x8], $0x40, s0, s18, $0xb8;
	[tilespmem:$0x1B240] =	vst v63  }
0x7a: {  	_ =	swait.ge [sflag:s29], $0x1400  }
0x7b: {  	s13 =	sadd.s32 $0x1E0, s13;
	[sflag:s29] =	ssyncset.done $0x0  }
0x7c: {  	[sflag:s29] =	ssyncadd.s32 $0xFFFFEC00  }
0x7d: {  	[tilespmem:s22], [sflag:$0x3] =	stream.indirect.gather [hbm4b:s1+s18], $0x40, s13, s18, $0xb8;
	[tilespmem:$0x1B240] =	vst v63  }
0x7e: {  	_ =	swait.ge [sflag:s16], $0x1400  }
0x7f: {  	s0 =	sshra.s32 s31, $0x2;
	[sflag:s16] =	ssyncset.done $0x0  }
0x80: {  	s2 =	sadd.s32 $0x4E20, s0;
	[sflag:s16] =	ssyncadd.s32 $0xFFFFEC00  }
0x81: {  	[spmem:s3] =	stream.indirect.scatter.add.f32 [tilespmem:s19], [sflag:$0x5], $0x40, s2, s18, $0xb8;
	[tilespmem:$0x1B240] =	vst v63  }
0x82: {  	_ =	swait.ge [sflag:s30], $0x1400  }
0x83: {  	[sflag:s30] =	ssyncset.done $0x0  }
0x84: {  	s13 =	simm.s32 $0x4D30;
	[sflag:s30] =	ssyncadd.s32 $0xFFFFEC00  }
0x85: {  	[tilespmem:s23], [sflag:$0x4] =	stream.indirect.gather [hbm4b:s1+s18], $0x40, s13, s18, $0xb8;
	[tilespmem:$0x1B240] =	vst v63  }
0x86: {  	_ =	swait.ge [sflag:s17], $0x1400  }
0x87: {  	[sflag:s17] =	ssyncset.done $0x0  }
0x88: {  	s31 =	sadd.s32 $0x4E70, s0;
	[sflag:s17] =	ssyncadd.s32 $0xFFFFEC00  }
0x89: {  	[spmem:s3] =	stream.indirect.scatter.add.f32 [tilespmem:s20], [sflag:$0x6], $0x40, s31, s18, $0xb8;
	[tilespmem:$0x1B240] =	vst v63  }
0x8a: {  	_ =	swait.ge [sflag:s24], $0x1400  }
0x8b: {  	[sflag:s24] =	ssyncset.done $0x0  }
0x8c: {  	s4 =	sadd.s32 $0x140, s0;
	[sflag:s24] =	ssyncadd.s32 $0xFFFFEC00  }
0x8d: {  	[tilespmem:s19], [sflag:$0x1] =	stream.indirect.gather [hbm4b:s1+s18], $0x40, s4, s18, $0xb8;
	[tilespmem:$0x1B240] =	vst v63  }
0x8e: {  	_ =	swait.ge [sflag:s25], $0x1400  }
0x8f: {  	[sflag:s25] =	ssyncset.done $0x0  }
0x90: {  	s13 =	sadd.s32 $0x4EC0, s0;
	[sflag:s25] =	ssyncadd.s32 $0xFFFFEC00  }
0x91: {  	[spmem:s3] =	stream.indirect.scatter.add.f32 [tilespmem:s22], [sflag:$0x7], $0x40, s13, s18, $0xb8;
	[tilespmem:$0x1B240] =	vst v63  }
0x92: {  	_ =	swait.ge [sflag:s26], $0x1400  }
0x93: {  	[sflag:s26] =	ssyncset.done $0x0  }
0x94: {  	s0 =	sadd.s32 $0x190, s0;
	[sflag:s26] =	ssyncadd.s32 $0xFFFFEC00  }
0x95: {  	[tilespmem:s20], [sflag:$0x2] =	stream.indirect.gather [hbm4b:s1+s18], $0x40, s0, s18, $0xb8;
	[tilespmem:$0x1B240] =	vst v63  }
0x96: {  	_ =	swait.ge [sflag:s28], $0x1400  }
0x97: {  	[sflag:s28] =	ssyncset.done $0x0  }
0x98: {  	s31 =	simm.s32 $0x9B50;
	[sflag:s28] =	ssyncadd.s32 $0xFFFFEC00  }
0x99: {  	[spmem:s3] =	stream.indirect.scatter.add.f32 [tilespmem:s23], [sflag:$0x8], $0x40, s31, s18, $0xb8;
	[tilespmem:$0x1B240] =	vst v63  }
0x9a: {  	_ =	swait.ge [sflag:s29], $0x1400  }
0x9b: {  	[sflag:s29] =	ssyncset.done $0x0  }
0x9c: {  	[sflag:s29] =	ssyncadd.s32 $0xFFFFEC00  }
0x9d: {  	_ =	swait.ge [sflag:s16], $0x1400  }
0x9e: {  	[sflag:s16] =	ssyncset.done $0x0  }
0x9f: {  	s2 =	simm.s32 $0x9BA0;
	[sflag:s16] =	ssyncadd.s32 $0xFFFFEC00  }
0xa0: {  	[spmem:s3] =	stream.indirect.scatter.add.f32 [tilespmem:s19], [sflag:$0x5], $0x40, s2, s18, $0xb8;
	[tilespmem:$0x1B240] =	vst v63  }
0xa1: {  	_ =	swait.ge [sflag:s30], $0x1400  }
0xa2: {  	[sflag:s30] =	ssyncset.done $0x0  }
0xa3: {  	[sflag:s30] =	ssyncadd.s32 $0xFFFFEC00  }
0xa4: {  	_ =	swait.ge [sflag:s17], $0x1400  }
0xa5: {  	[sflag:s17] =	ssyncset.done $0x0  }
0xa6: {  	s4 =	simm.s32 $0x9BF0;
	[sflag:s17] =	ssyncadd.s32 $0xFFFFEC00  }
0xa7: {  	[spmem:s3] =	stream.indirect.scatter.add.f32 [tilespmem:s20], [sflag:$0x6], $0x40, s4, s18, $0xb8;
	[tilespmem:$0x1B240] =	vst v63  }
0xa8: {  	_ =	swait.ge [sflag:s24], $0x1400  }
0xa9: {  	[sflag:s24] =	ssyncset.done $0x0  }
0xaa: {  	[sflag:s24] =	ssyncadd.s32 $0xFFFFEC00  }
0xab: {  	s13 =	stileid.u32;
	_ =	swait.ge [sflag:s26], $0x1400  }
0xac: {  	s21 =	sadd.s32 $0x1, s21;
	s0 =	sshll.u32 s13, $0x6;
	[sflag:s26] =	ssyncset.done $0x0  }
0xad: {  	p0 =	sne.s32 s21, s12;
	s0 =	sor.u32 $0x1C09, s0;
	[sflag:s26] =	ssyncadd.s32 $0xFFFFEC00  }
.Ltmp2:
0xae: {  	s31 =	sshrl.u32 s7, $0x3;
	[bflag:$0x0] =	sbarrier.arrive $0xFFFF;
	(pc) =	sbr.rel @p0 .LBB2_1-.Ltmp2, $4  }
0xaf: {  	[hbm:s11], [sflag:s0] =	dma.local [spmem:s31], $0x13C0  }
0xb0: {  	_ =	swait.ge [sflag:s15], $0x13C0  }
0xb1: {  	[sflag:s15] =	ssyncset.done $0x0  }
0xb2: {  	[sflag:s15] =	ssyncadd.s32 $0xFFFFEC40  }
0xb3: {  	_ =	sfence.sel $0x180000  }
0xb4: {  	[bflag:$0x0] =	sbarrier.arrive $0xFFFF  }
0xb5: {  	_ =	strace $0x90000047  }
0xb6: {  	s0 =	stileid.u32;
	[bflag:$0x2] =	sbarrier.arrive $0xFFFF  }
0xb7: {  	p0 =	sne.s32 s0, $0x0;
	s0 =	rddreg [dreg:$0x3]  }
0xb8: {  	s0 =	sadd.s32 @!p0 $0x100000, s0  }
0xb9: {  	[sflag:s0] =	ssyncadd.tile.s32 @!p0 $0x1;
	_ =	shalt  }
.Lfunc_end2:
_tile_overlayer_lowered:
.L_overlay_start_2:
0xba: {  	(tag) =	ssettag $0x2  }
0xbb: {  	s0 =	rddreg [dreg:$0x0];
	s2 =	stileid.u32  }
0xbc: {  	s1 =	rddreg [dreg:$0x1];
	p0 =	sne.s32 s2, $0x0  }
0xbd: {  	s3 =	rddreg [dreg:$0x2];
	[bflag:$0x3] =	sbarrier.arrive $0xFFFF;
	s2 =	simm.s32 @!p0 $0x1C09  }
0xbe: {  	[timem:s3], [sflag:s2] =	dma.local @!p0 [hbm:s0], s1  }
0xbf: {  	s0 =	simm.s32 @!p0 $0x9  }
0xc0: {  	_ =	swait.ge @!p0 [sflag:s0], s1  }
0xc1: {  	s1 =	ssub.s32 @!p0 $0x0, s1;
	[sflag:s0] =	ssyncset.done @!p0 $0x0  }
0xc2: {  	[sflag:s0] =	ssyncadd.s32 @!p0 s1  }
0xc3: {  	[bflag:$0x3] =	sbarrier.arrive $0xFFFF  }
0xc4: {  	_ =	shalt  }

// kernel: kernel.9.cloned.1.call-start
scs
__scs_entry_jumppad:
0x0: {  	(pc) =	sbr.rel $0x88, $3  }
0x1: {  	(tag) =	ssettag $0x0;
	lr =	simm.s32 $0x1  }
0x2: {  	[smem:$0x3F99] =	sst lr;
	_ =	strace $0xD0000000  }
0x3: {  	_ = 	snop  }
0x4: {  	_ = 	snop  }
0x5: {  	_ = 	snop  }
0x6: {  	_ = 	snop  }
0x7: {  	_ = 	snop  }
__scs_overlays_trampoline_lowered:
0x8: {  	[smem:$0x3FA8] =	sst s0  }
0x9: {  	[smem:$0x3FA9] =	sst s1  }
0xa: {  	[smem:$0x3FAA] =	sst s2  }
0xb: {  	[smem:$0x3FAB] =	sst s3  }
0xc: {  	[smem:$0x3FAC] =	sst s4  }
0xd: {  	[smem:$0x3FAD] =	sst s5  }
0xe: {  	[smem:$0x3FAE] =	sst s6  }
0xf: {  	[smem:$0x3FAF] =	sst s7  }
0x10: {  	[smem:$0x3FB0] =	sst s8  }
0x11: {  	[smem:$0x3FB1] =	sst s9;
	s0 =	simm.s32 @!p0 $0x0  }
0x12: {  	s1 =	sld [smem:$0x3F97];
	s0 =	simm.s32 @p0 $0x1  }
0x13: {  	[smem:$0x3FB2] =	sst s0;
	s0 =	simm.s32 @!p1 $0x0  }
0x14: {  	s2 =	sld [smem:$0x3F96];
	s0 =	simm.s32 @p1 $0x1  }
0x15: {  	[smem:$0x3FB3] =	sst s0;
	s0 =	simm.s32 @!p2 $0x0  }
0x16: {  	s3 =	sld [smem:$0x3FDB];
	s0 =	simm.s32 @p2 $0x1  }
0x17: {  	s4 =	simm.s32 $0x1BF5;
	[smem:$0x3FB5] =	sst s0  }
0x18: {  	s0 =	sld [smem:$0x3F98];
	_ =	swait.ge [sflag:s4], $0x0  }
0x19: {  	s7 =	sld [smem:$0x3F99]  }
0x1a: {  	s8 =	sadd.s32 $0xFFFFE003, lr  }
0x1b: {  	s9 =	sadd.s32 $0xFFFFFEF7, lr;
	s5 =	simm.s32 $0xFFFFFFFF;
	p2 =	slt.u32 s8, $0xFFFFF086  }
0x1c: {  	p1 =	slt.u32 s9, $0xF7A;
	s5 =	simm.s32 @!p2 $0x0  }
0x1d: {  	s5 =	simm.s32 @p1 $0x1;
	p0 =	seq.s32 s7, s2  }
0x1e: {  	s7 =	smul.u32 @!p0 $0xF7A, s2;
	p2 =	seq.s32 @!p0 s5, $0x0  }
0x1f: {  	s9 =	smul.u32 $0xF7A, s1;
	s8 =	simm.s32 @!p0 $0x1BF5;
	p2 =	por !p2, p0  }
0x20: {  	[sflag:s8] =	ssyncset.s32 @!p0 $0xFFFFF086;
	s6 =	sadd.s32 @!p0 s3, s7;
	s7 =	simm.s32 @!p0 $0x108  }
0x21: {  	s3 =	sadd.s32 s3, s9;
	s6 =	sadd.s32 @!p0 $0x88, s6;
	s7 =	simm.s32 @p2 $0x1082  }
0x22: {  	[simem:s7], [sflag:s8] =	dma.local @!p0 [hbm:s6], $0xF7A  }
0x23: {  	s9 =	sor.u32 $0xD0000000, s2;
	s6 =	simm.s32 $0x108;
	_ =	swait.ge @!p0 [sflag:s8], $0x0  }
0x24: {  	s3 =	sadd.s32 $0x88, s3;
	s6 =	simm.s32 @!p1 $0x1082;
	[sflag:s4] =	ssyncset.s32 $0xFFFFF086  }
0x25: {  	[simem:s6], [sflag:s4] =	dma.local [hbm:s3], $0xF7A  }
0x26: {  	[smem:$0x3F99] =	sst s1;
	(tag) =	ssettag s2;
	_ =	strace s9  }
0x27: {  	s1 =	sld [smem:$0x3FA9]  }
0x28: {  	s2 =	sld [smem:$0x3FAA]  }
0x29: {  	s4 =	sld [smem:$0x3FAC]  }
0x2a: {  	p0 =	seq.s32 s5, $0x0;
	s5 =	sld [smem:$0x3FAD]  }
0x2b: {  	s6 =	sld [smem:$0x3FAE]  }
0x2c: {  	s7 =	sld [smem:$0x3FAF]  }
0x2d: {  	s3 =	simm.s32 $0x108;
	s8 =	sld [smem:$0x3FB0]  }
0x2e: {  	s3 =	simm.s32 @!p0 $0x1082;
	s9 =	sld [smem:$0x3FB1]  }
0x2f: {  	lr =	sadd.s32 s0, s3;
	s0 =	sld [smem:$0x3FA8]  }
0x30: {  	s3 =	sld [smem:$0x3FAB]  }
0x31: {  	[smem:$0x3FB4] =	sst s10  }
0x32: {  	s10 =	sld [smem:$0x3FB2];
	_ =	sdelay $0x3  }
0x33: {  	p0 =	seq.s32 s10, $0x1;
	s10 =	sld [smem:$0x3FB4];
	_ =	sdelay $0x3  }
0x34: {  	[smem:$0x3FB4] =	sst s10  }
0x35: {  	s10 =	sld [smem:$0x3FB3];
	_ =	sdelay $0x3  }
0x36: {  	p1 =	seq.s32 s10, $0x1;
	s10 =	sld [smem:$0x3FB4];
	_ =	sdelay $0x3  }
0x37: {  	[smem:$0x3FB4] =	sst s10  }
0x38: {  	s10 =	sld [smem:$0x3FB5]  }
0x39: {  	_ = 	snop;
	(pc) =	sbr.ind lr, $3  }
0x3a: {  	_ = 	snop  }
0x3b: {  	_ = 	snop  }
0x3c: {  	p2 =	seq.s32 s10, $0x1;
	s10 =	sld [smem:$0x3FB4]  }
0x3d: {  	_ =	shalt  }
0x3e: {  	_ =	shalt  }
0x3f: {  	_ =	shalt  }
0x40: {  	_ =	shalt  }
0x41: {  	_ =	shalt  }
0x42: {  	_ =	shalt  }
0x43: {  	_ =	shalt  }
0x44: {  	_ =	shalt  }
0x45: {  	_ =	shalt  }
0x46: {  	_ =	shalt  }
0x47: {  	_ =	shalt  }
0x48: {  	_ =	shalt  }
0x49: {  	_ =	shalt  }
0x4a: {  	_ =	shalt  }
0x4b: {  	_ =	shalt  }
0x4c: {  	_ =	shalt  }
0x4d: {  	_ =	shalt  }
0x4e: {  	_ =	shalt  }
0x4f: {  	_ =	shalt  }
0x50: {  	_ =	shalt  }
0x51: {  	_ =	shalt  }
0x52: {  	_ =	shalt  }
0x53: {  	_ =	shalt  }
0x54: {  	_ =	shalt  }
0x55: {  	_ =	shalt  }
0x56: {  	_ =	shalt  }
0x57: {  	_ =	shalt  }
0x58: {  	_ =	shalt  }
0x59: {  	_ =	shalt  }
0x5a: {  	_ =	shalt  }
0x5b: {  	_ =	shalt  }
0x5c: {  	_ =	shalt  }
0x5d: {  	_ =	shalt  }
0x5e: {  	_ =	shalt  }
0x5f: {  	_ =	shalt  }
0x60: {  	_ =	shalt  }
0x61: {  	_ =	shalt  }
0x62: {  	_ =	shalt  }
0x63: {  	_ =	shalt  }
0x64: {  	_ =	shalt  }
0x65: {  	_ =	shalt  }
0x66: {  	_ =	shalt  }
0x67: {  	_ =	shalt  }
0x68: {  	_ =	shalt  }
0x69: {  	_ =	shalt  }
0x6a: {  	_ =	shalt  }
0x6b: {  	_ =	shalt  }
0x6c: {  	_ =	shalt  }
0x6d: {  	_ =	shalt  }
0x6e: {  	_ =	shalt  }
0x6f: {  	_ =	shalt  }
0x70: {  	_ =	shalt  }
0x71: {  	_ =	shalt  }
0x72: {  	_ =	shalt  }
0x73: {  	_ =	shalt  }
0x74: {  	_ =	shalt  }
0x75: {  	_ =	shalt  }
0x76: {  	_ =	shalt  }
0x77: {  	_ =	shalt  }
0x78: {  	_ =	shalt  }
0x79: {  	_ =	shalt  }
0x7a: {  	_ =	shalt  }
0x7b: {  	_ =	shalt  }
0x7c: {  	_ =	shalt  }
0x7d: {  	_ =	shalt  }
0x7e: {  	_ =	shalt  }
0x7f: {  	_ =	shalt  }
0x80: {  	_ =	shalt  }
0x81: {  	_ =	shalt  }
0x82: {  	_ =	shalt  }
0x83: {  	_ =	shalt  }
0x84: {  	_ =	shalt  }
0x85: {  	_ =	shalt  }
0x86: {  	_ =	shalt  }
0x87: {  	_ =	shalt  }
.Lfunc_end0:
.L_simem_size_0:
called_computation.1_lowered:
.L_overlay_start_0:
0x88: {  	s2 =	sld [smem:$0x3FD9]  }
0x89: {  	s3 =	sld [smem:$0x3FFE];
	_ =	sdelay $0x1  }
0x8a: {  	s1 =	srdreg.scid  }
0x8b: {  	s0 =	sand.u32 $0x1, s1  }
0x8c: {  	s17 =	sshll.u32 s0, $0xA;
	s2 =	sadd.s32 s3, s2  }
0x8d: {  	s2 =	sadd.s32 s2, s17  }
0x8e: {  	[smem:$0x3FC0] =	sst s2  }
0x8f: {  	_ = 	snop  }
0x90: {  	s2 =	sld [smem:$0x3FD0];
	(tm) =	ssettm $0x1  }
0x91: {  	s18 =	sld [smem:$0x3FFB];
	_ =	sdelay $0x3  }
0x92: {  	_ =	strace s18  }
0x93: {  	s3 =	sld [smem:$0x3FFC];
	_ =	sdelay $0x3  }
0x94: {  	_ =	strace s3  }
0x95: {  	s3 =	sld [smem:$0x3FFD];
	_ =	sdelay $0x3  }
0x96: {  	_ =	strace s3  }
0x97: {  	_ =	strace $0x8FFFFFFF  }
0x98: {  	s19 =	sld [smem:$0x3FDB];
	_ =	sdelay $0x1  }
0x99: {  	s4 =	simm.s32 $_scs_section_size  }
0x9a: {  	s5 =	simm.s32 $_size__tile_overlayer_lowered;
	s6 =	simm.s32 $_tile_overlayer_lowered  }
0x9b: {  	s22 =	simm.s32 $0x1BFF;
	s21 =	sshll.u32 s6, $0x1;
	s3 =	sadd.s32 s4, s19  }
0x9c: {  	s7 =	simm.s32 $0x0;
	s20 =	sshll.u32 s5, $0x1;
	s5 =	sadd.s32 s21, s3  }
0x9d: {  	[timem:s7], [sflag:s22] =	dma.local [hbm:s5], s20  }
0x9e: {  	_ =	swait.ge [sflag:s22], s20  }
0x9f: {  	s4 =	ssub.s32 $0x0, s20;
	[sflag:s22] =	ssyncset.done $0x0  }
0xa0: {  	[sflag:s22] =	ssyncadd.s32 s4;
	_ =	sdelay $0x1  }
0xa1: {  	s23 =	simm.s32 $0x1B8B  }
0xa2: {  	_ =	swait.ge [sflag:s23], $0x1  }
0xa3: {  	[sflag:s23] =	ssyncset.done $0x0  }
0xa4: {  	s25 =	simm.s32 $0x1B8E;
	s24 =	sld [smem:$0x3FFE];
	[sflag:s23] =	ssyncadd.s32 $0xFFFFFFFF  }
0xa5: {  	s26 =	simm.s32 $execute0_lowered;
	[smem:$0x3FD2] =	sst s25  }
0xa6: {  	s5 =	sshll.u32 s26, $0x1;
	_ =	strace $0x80000049;
	[dreg:$0x1] =	wrdreg $0xFFFFFFFF  }
0xa7: {  	s28 =	simm.s32 $_size_execute0_lowered;
	s3 =	sadd.s32 s3, s5;
	[dreg:$0x0] =	wrdreg $0x0  }
0xa8: {  	s5 =	sshll.u32 s28, $0x1;
	[dreg:$0x2] =	wrdreg s3  }
0xa9: {  	[dreg:$0x3] =	wrdreg s5  }
0xaa: {  	[dreg:$0x4] =	wrdreg $0xC0  }
0xab: {  	_ =	task [dreg:s7], $0x5FFFF  }
0xac: {  	[dreg:$0x1] =	wrdreg $0xFFFFFFFF  }
0xad: {  	[dreg:$0x0] =	wrdreg $0x60  }
0xae: {  	[dreg:$0x2] =	wrdreg s2  }
0xaf: {  	[dreg:$0x3] =	wrdreg s24  }
0xb0: {  	[dreg:$0x4] =	wrdreg $0x114400  }
0xb1: {  	[dreg:$0x5] =	wrdreg $0x9  }
0xb2: {  	_ =	task.clear_ibuf [dreg:s7], $0x6FFFF;
	_ =	strace $0x90000049  }
0xb3: {  	s29 =	simm.s32 $0x9;
	_ =	strace $0x8000004B  }
0xb4: {  	_ =	swait.ge [sflag:s29], $0x1  }
0xb5: {  	[sflag:s29] =	ssyncadd.s32 $0xFFFFFFFF  }
0xb6: {  	_ =	strace $0x9000004B  }
0xb7: {  	_ =	sfence  }
0xb8: {  	s30 =	sld [smem:$0x0];
	_ =	sdelay $0x2  }
0xb9: {  	s31 =	sshll.u32 s1, $0xD;
	s1 =	sshrl.u32 s1, $0x2  }
0xba: {  	s3 =	sand.u32 $0x4000, s31;
	s1 =	sadd.s32 s1, s30  }
0xbb: {  	s0 =	sor.u32 s3, s0;
	s1 =	sshll.u32 s1, $0x11  }
0xbc: {  	s0 =	sor.u32 s1, s0  }
0xbd: {  	s0 =	sadd.s32 $0x8F2B, s0  }
0xbe: {  	[sflag:s0] =	ssyncadd.remote.s32 $0x1  }
0xbf: {  	_ =	sfence.sel $0xFFFF  }
0xc0: {  	[dreg:$0x0] =	wrdreg $0xFFFFFFFF;
	(pc) =	sbr.abs _section_cstart, $3  }
0xc1: {  	[dreg:$0x1] =	wrdreg $0xFFFFFFFF  }
0xc2: {  	_ =	task.clear_ibuf [dreg:s7], $0x2FFFF;
	_ =	strace $0x9FFFFFFF  }
0xc3: {  	(tm) =	ssettm $0x7FFFFFFF  }
tec
execute0_lowered:
.L_overlay_start_1:
0x0: {  	(tag) =	ssettag $0x1  }
0x1: {  	s1 =	rddreg [dreg:$0x0]  }
0x2: {  	s0 =	srdreg.scid;
	s5 =	rddreg [dreg:$0x1]  }
0x3: {  	s4 =	stileid.u32;
	s3 =	rddreg [dreg:$0x2]  }
0x4: {  	s6 =	simm.s32 $0x0;
	s14 =	simm.s32 $0xEC40;
	s15 =	simm.s32 $0x9  }
0x5: {  	s16 =	simm.s32 $0x1;
	s17 =	simm.s32 $0x2;
	s18 =	simm.s32 $0x50  }
0x6: {  	s19 =	simm.s32 $0x9C40;
	s20 =	simm.s32 $0xB040;
	s22 =	simm.s32 $0xC440  }
0x7: {  	s23 =	simm.s32 $0xD840;
	s24 =	simm.s32 $0x5;
	s28 =	simm.s32 $0x4  }
0x8: {  	s29 =	simm.s32 $0x7;
	s30 =	simm.s32 $0x8;
	s7 =	smul.u32 $0x9E00, s4  }
0x9: {  	s21 =	simm.s32 $0x0;
	s0 =	sand.u32 $0x1, s0;
	s8 =	smul.u32 $0x9C4, s4  }
0xa: {  	[smem:$0x7FF] =	sst s6;
	s9 =	smul.u32 $0x27800, s4;
	s2 =	sshll.u32 s0, $0x4  }
0xb: {  	s25 =	smul.u32 $0x9E000, s0;
	_ =	strace $0x8000004A;
	s0 =	ssub.s32 $0x2, s0  }
0xc: {  	s2 =	sor.u32 s4, s2;
	s8 =	sadd.s32 s8, s5;
	s26 =	sshrl.u32 s0, $0x1  }
0xd: {  	s31 =	sshrl.u32 s9, $0x2;
	s2 =	smul.u32 $0x9C4, s2;
	s6 =	sadd.s32 s7, s25  }
0xe: {  	s0 =	ssub.s32 s0, s26;
	s7 =	sadd.s32 s7, s3;
	s25 =	simm.s32 $0x3  }
0xf: {  	s26 =	simm.s32 $0x6;
	s6 =	sshrl.u32 s6, $0x3;
	s12 =	smax.u32 s0, $0x1  }
0x10: {  	s2 =	sadd.s32 s2, s5;
	s11 =	sadd.s32 s6, s5;
	s6 =	sadd.s32 $0x1800, s8  }
0x11: {  	s5 =	sadd.s32 $0xB600, s2;
	s2 =	sadd.s32 s31, s3;
	s11 =	sadd.s32 $0x1F000, s11  }
0x12: {  	v0 =	vimm.f32 $0.0e+00;
	s8 =	sadd.s32 $0x2800, s2;
	s9 =	sadd.s32 $0x5000, s2;
	s10 =	sadd.s32 $0x7800, s2  }
.LBB2_1:
0x13: {  	s0 =	simm.s32 $0x0  }
0x14: {  	[tilespmem:s0], [sflag:$0x1] =	stream.linear.gather [hbm4b:s5+s0], $0x4E20, $0x38;
	[tilespmem:$0x1B240] =	vst v63  }
0x15: {  	s2 =	simm.s32 $0x4E20  }
0x16: {  	[tilespmem:s2], [sflag:$0x2] =	stream.linear.gather [hbm4b:s6+s0], $0x4E20, $0x38;
	[tilespmem:$0x1B240] =	vst v63  }
0x17: {  	s13 =	simm.s32 $0x100;
	s2 =	simm.s32 $0x0  }
.LBB2_2:
0x18: {  	p0 =	sne.s32 s13, $0x9F00;
	[tilespmem:s2+$0xEC70] =	vst v0;
	s31 =	smov.u32 s13;
	s13 =	sadd.s32 $0x100, s13  }
.Ltmp0:
0x19: {  	[tilespmem:s2+$0xEC60] =	vst v0;
	(pc) =	sbr.rel @p0 .LBB2_2-.Ltmp0, $3  }
0x1a: {  	[tilespmem:s2+$0xEC40] =	vst v0  }
0x1b: {  	[tilespmem:s2+$0xEC50] =	vst v0;
	_ =	sdelay $0x1  }
0x1c: {  	s2 =	sshra.s32 s31, $0x2  }
0x1d: {  	[tilespmem:s2+$0xEC70] =	vst v0  }
0x1e: {  	[tilespmem:s2+$0xEC60] =	vst v0  }
0x1f: {  	[tilespmem:s2+$0xEC40] =	vst v0  }
0x20: {  	[tilespmem:s2+$0xEC50] =	vst v0  }
0x21: {  	[spmem:s7] =	stream.linear.scatter [tilespmem:s14], [sflag:$0x9], $0x2800, $0x38;
	[tilespmem:$0x1B240] =	vst v63  }
0x22: {  	_ =	swait.ge [sflag:s15], $0x2800  }
0x23: {  	[sflag:s15] =	ssyncset.done $0x0  }
0x24: {  	[sflag:s15] =	ssyncadd.s32 $0xFFFFD800  }
0x25: {  	[spmem:s8] =	stream.linear.scatter [tilespmem:s14], [sflag:$0x9], $0x2800, $0x38;
	[tilespmem:$0x1B240] =	vst v63  }
0x26: {  	_ =	swait.ge [sflag:s15], $0x2800  }
0x27: {  	[sflag:s15] =	ssyncset.done $0x0  }
0x28: {  	[sflag:s15] =	ssyncadd.s32 $0xFFFFD800  }
0x29: {  	[spmem:s9] =	stream.linear.scatter [tilespmem:s14], [sflag:$0x9], $0x2800, $0x38;
	[tilespmem:$0x1B240] =	vst v63  }
0x2a: {  	_ =	swait.ge [sflag:s15], $0x2800  }
0x2b: {  	[sflag:s15] =	ssyncset.done $0x0  }
0x2c: {  	[sflag:s15] =	ssyncadd.s32 $0xFFFFD800  }
0x2d: {  	[spmem:s10] =	stream.linear.scatter [tilespmem:s14], [sflag:$0x9], $0x2600, $0x38;
	[tilespmem:$0x1B240] =	vst v63  }
0x2e: {  	_ =	swait.ge [sflag:s15], $0x2600  }
0x2f: {  	[sflag:s15] =	ssyncset.done $0x0  }
0x30: {  	[sflag:s15] =	ssyncadd.s32 $0xFFFFDA00  }
0x31: {  	_ =	swait.ge [sflag:s16], $0x4E20  }
0x32: {  	[sflag:s16] =	ssyncset.done $0x0  }
0x33: {  	[sflag:s16] =	ssyncadd.s32 $0xFFFFB1E0  }
0x34: {  	_ =	swait.ge [sflag:s17], $0x4E20  }
0x35: {  	[sflag:s17] =	ssyncset.done $0x0  }
0x36: {  	[sflag:s17] =	ssyncadd.s32 $0xFFFFB1E0  }
0x37: {  	s0 =	simm.s32 $0x0;
	[bflag:$0x0] =	sbarrier.arrive $0xFFFF  }
0x38: {  	[tilespmem:s19], [sflag:$0x1] =	stream.indirect.gather [hbm4b:s1+s18], $0x40, s0, s18, $0xb8;
	[tilespmem:$0x1B240] =	vst v63  }
0x39: {  	_ = 	snop  }
0x3a: {  	[tilespmem:s20], [sflag:$0x2] =	stream.indirect.gather [hbm4b:s1+s18], $0x40, s18, s18, $0xb8;
	[tilespmem:$0x1B240] =	vst v63  }
0x3b: {  	s0 =	simm.s32 $0xA0  }
0x3c: {  	[tilespmem:s22], [sflag:$0x3] =	stream.indirect.gather [hbm4b:s1+s18], $0x40, s0, s18, $0xb8;
	[tilespmem:$0x1B240] =	vst v63  }
0x3d: {  	_ =	swait.ge [sflag:s16], $0x1400  }
0x3e: {  	p0 =	por $0x1, $0x1;
	[sflag:s16] =	ssyncset.done $0x0  }
0x3f: {  	s4 =	simm.s32 $0x4E20;
	s13 =	simm.s32 @!p0 $0x8;
	[sflag:s16] =	ssyncadd.s32 $0xFFFFEC00  }
0x40: {  	[spmem:s3] =	stream.indirect.scatter.add.f32 [tilespmem:s19], [sflag:$0x5], $0x40, s4, s18, $0xb8;
	[tilespmem:$0x1B240] =	vst v63  }
0x41: {  	_ =	swait.ge @!p0 [sflag:s13], $0x1400  }
0x42: {  	[sflag:s13] =	ssyncset.done @!p0 $0x0  }
0x43: {  	s0 =	simm.s32 $0xF0;
	[sflag:s13] =	ssyncadd.s32 @!p0 $0xFFFFEC00  }
0x44: {  	[tilespmem:s23], [sflag:$0x4] =	stream.indirect.gather [hbm4b:s1+s18], $0x40, s0, s18, $0xb8;
	[tilespmem:$0x1B240] =	vst v63  }
0x45: {  	_ =	swait.ge [sflag:s17], $0x1400  }
0x46: {  	[sflag:s17] =	ssyncset.done $0x0  }
0x47: {  	s4 =	simm.s32 $0x4E70;
	[sflag:s17] =	ssyncadd.s32 $0xFFFFEC00  }
0x48: {  	[spmem:s3] =	stream.indirect.scatter.add.f32 [tilespmem:s20], [sflag:$0x6], $0x40, s4, s18, $0xb8;
	[tilespmem:$0x1B240] =	vst v63  }
0x49: {  	_ =	swait.ge [sflag:s24], $0x1400  }
0x4a: {  	[sflag:s24] =	ssyncset.done $0x0  }
0x4b: {  	s13 =	simm.s32 $0x140;
	[sflag:s24] =	ssyncadd.s32 $0xFFFFEC00  }
0x4c: {  	[tilespmem:s19], [sflag:$0x1] =	stream.indirect.gather [hbm4b:s1+s18], $0x40, s13, s18, $0xb8;
	[tilespmem:$0x1B240] =	vst v63  }
0x4d: {  	_ =	swait.ge [sflag:s25], $0x1400  }
0x4e: {  	[sflag:s25] =	ssyncset.done $0x0  }
0x4f: {  	s0 =	simm.s32 $0x4EC0;
	[sflag:s25] =	ssyncadd.s32 $0xFFFFEC00  }
0x50: {  	[spmem:s3] =	stream.indirect.scatter.add.f32 [tilespmem:s22], [sflag:$0x7], $0x40, s0, s18, $0xb8;
	[tilespmem:$0x1B240] =	vst v63  }
0x51: {  	_ =	swait.ge [sflag:s26], $0x1400  }
0x52: {  	[sflag:s26] =	ssyncset.done $0x0  }
0x53: {  	s4 =	simm.s32 $0x190;
	[sflag:s26] =	ssyncadd.s32 $0xFFFFEC00  }
0x54: {  	[tilespmem:s20], [sflag:$0x2] =	stream.indirect.gather [hbm4b:s1+s18], $0x40, s4, s18, $0xb8;
	[tilespmem:$0x1B240] =	vst v63  }
0x55: {  	_ =	swait.ge [sflag:s28], $0x1400  }
0x56: {  	[sflag:s28] =	ssyncset.done $0x0  }
0x57: {  	s13 =	simm.s32 $0x4F10;
	[sflag:s28] =	ssyncadd.s32 $0xFFFFEC00  }
0x58: {  	[spmem:s3] =	stream.indirect.scatter.add.f32 [tilespmem:s23], [sflag:$0x8], $0x40, s13, s18, $0xb8;
	[tilespmem:$0x1B240] =	vst v63  }
0x59: {  	s2 =	simm.s32 $0xFFFFFFFE;
	_ =	swait.ge [sflag:s29], $0x1400  }
0x5a: {  	s31 =	simm.s32 $0x500;
	s13 =	simm.s32 $0x1E0;
	[sflag:s29] =	ssyncset.done $0x0  }
.LBB2_4:
0x5b: {  	[sflag:s29] =	ssyncadd.s32 $0xFFFFEC00  }
0x5c: {  	s2 =	sadd.s32 $0x4, s2;
	s0 =	smov.u32 s31;
	s31 =	sadd.s32 $0x500, s31  }
0x5d: {  	[tilespmem:s22], [sflag:$0x3] =	stream.indirect.gather [hbm4b:s1+s18], $0x40, s13, s18, $0xb8;
	[tilespmem:$0x1B240] =	vst v63  }
0x5e: {  	s13 =	sshra.s32 s0, $0x2;
	p0 =	sne.s32 s31, $0x13100;
	_ =	swait.ge [sflag:s16], $0x1400  }
0x5f: {  	p1 =	sgt.u32 s2, $0xF9;
	s0 =	sadd.s32 $0x4E20, s13;
	[sflag:s16] =	ssyncset.done $0x0  }
0x60: {  	s4 =	simm.s32 @!p1 $0x8;
	[sflag:s16] =	ssyncadd.s32 $0xFFFFEC00  }
0x61: {  	[spmem:s3] =	stream.indirect.scatter.add.f32 [tilespmem:s19], [sflag:$0x5], $0x40, s0, s18, $0xb8;
	[tilespmem:$0x1B240] =	vst v63  }
0x62: {  	_ =	swait.ge @!p1 [sflag:s4], $0x1400  }
0x63: {  	s0 =	sadd.s32 $0xF0, s13;
	[sflag:s4] =	ssyncset.done @!p1 $0x0  }
0x64: {  	[sflag:s4] =	ssyncadd.s32 @!p1 $0xFFFFEC00  }
0x65: {  	[tilespmem:s23], [sflag:$0x4] =	stream.indirect.gather [hbm4b:s1+s18], $0x40, s0, s18, $0xb8;
	[tilespmem:$0x1B240] =	vst v63  }
0x66: {  	_ =	swait.ge [sflag:s17], $0x1400  }
0x67: {  	s0 =	sadd.s32 $0x4E70, s13;
	[sflag:s17] =	ssyncset.done $0x0  }
0x68: {  	[sflag:s17] =	ssyncadd.s32 $0xFFFFEC00  }
0x69: {  	[spmem:s3] =	stream.indirect.scatter.add.f32 [tilespmem:s20], [sflag:$0x6], $0x40, s0, s18, $0xb8;
	[tilespmem:$0x1B240] =	vst v63  }
0x6a: {  	_ =	swait.ge [sflag:s24], $0x1400  }
0x6b: {  	s0 =	sadd.s32 $0x140, s13;
	[sflag:s24] =	ssyncset.done $0x0  }
0x6c: {  	[sflag:s24] =	ssyncadd.s32 $0xFFFFEC00  }
0x6d: {  	[tilespmem:s19], [sflag:$0x1] =	stream.indirect.gather [hbm4b:s1+s18], $0x40, s0, s18, $0xb8;
	[tilespmem:$0x1B240] =	vst v63  }
0x6e: {  	_ =	swait.ge [sflag:s25], $0x1400  }
0x6f: {  	s0 =	sadd.s32 $0x4EC0, s13;
	[sflag:s25] =	ssyncset.done $0x0  }
0x70: {  	[sflag:s25] =	ssyncadd.s32 $0xFFFFEC00  }
0x71: {  	[spmem:s3] =	stream.indirect.scatter.add.f32 [tilespmem:s22], [sflag:$0x7], $0x40, s0, s18, $0xb8;
	[tilespmem:$0x1B240] =	vst v63  }
0x72: {  	_ =	swait.ge [sflag:s26], $0x1400  }
0x73: {  	s0 =	sadd.s32 $0x190, s13;
	[sflag:s26] =	ssyncset.done $0x0  }
0x74: {  	[sflag:s26] =	ssyncadd.s32 $0xFFFFEC00  }
0x75: {  	[tilespmem:s20], [sflag:$0x2] =	stream.indirect.gather [hbm4b:s1+s18], $0x40, s0, s18, $0xb8;
	[tilespmem:$0x1B240] =	vst v63  }
0x76: {  	_ =	swait.ge [sflag:s28], $0x1400  }
.Ltmp1:
0x77: {  	s0 =	sadd.s32 $0x4F10, s13;
	[sflag:s28] =	ssyncset.done $0x0;
	(pc) =	sbr.rel @p0 .LBB2_4-.Ltmp1, $4  }
0x78: {  	[sflag:s28] =	ssyncadd.s32 $0xFFFFEC00  }
0x79: {  	[spmem:s3] =	stream.indirect.scatter.add.f32 [tilespmem:s23], [sflag:$0x8], $0x40, s0, s18, $0xb8;
	[tilespmem:$0x1B240] =	vst v63  }
0x7a: {  	_ =	swait.ge [sflag:s29], $0x1400  }
0x7b: {  	s13 =	sadd.s32 $0x1E0, s13;
	[sflag:s29] =	ssyncset.done $0x0  }
0x7c: {  	[sflag:s29] =	ssyncadd.s32 $0xFFFFEC00  }
0x7d: {  	[tilespmem:s22], [sflag:$0x3] =	stream.indirect.gather [hbm4b:s1+s18], $0x40, s13, s18, $0xb8;
	[tilespmem:$0x1B240] =	vst v63  }
0x7e: {  	_ =	swait.ge [sflag:s16], $0x1400  }
0x7f: {  	s0 =	sshra.s32 s31, $0x2;
	[sflag:s16] =	ssyncset.done $0x0  }
0x80: {  	s2 =	sadd.s32 $0x4E20, s0;
	[sflag:s16] =	ssyncadd.s32 $0xFFFFEC00  }
0x81: {  	[spmem:s3] =	stream.indirect.scatter.add.f32 [tilespmem:s19], [sflag:$0x5], $0x40, s2, s18, $0xb8;
	[tilespmem:$0x1B240] =	vst v63  }
0x82: {  	_ =	swait.ge [sflag:s30], $0x1400  }
0x83: {  	[sflag:s30] =	ssyncset.done $0x0  }
0x84: {  	s13 =	simm.s32 $0x4D30;
	[sflag:s30] =	ssyncadd.s32 $0xFFFFEC00  }
0x85: {  	[tilespmem:s23], [sflag:$0x4] =	stream.indirect.gather [hbm4b:s1+s18], $0x40, s13, s18, $0xb8;
	[tilespmem:$0x1B240] =	vst v63  }
0x86: {  	_ =	swait.ge [sflag:s17], $0x1400  }
0x87: {  	[sflag:s17] =	ssyncset.done $0x0  }
0x88: {  	s31 =	sadd.s32 $0x4E70, s0;
	[sflag:s17] =	ssyncadd.s32 $0xFFFFEC00  }
0x89: {  	[spmem:s3] =	stream.indirect.scatter.add.f32 [tilespmem:s20], [sflag:$0x6], $0x40, s31, s18, $0xb8;
	[tilespmem:$0x1B240] =	vst v63  }
0x8a: {  	_ =	swait.ge [sflag:s24], $0x1400  }
0x8b: {  	[sflag:s24] =	ssyncset.done $0x0  }
0x8c: {  	s4 =	sadd.s32 $0x140, s0;
	[sflag:s24] =	ssyncadd.s32 $0xFFFFEC00  }
0x8d: {  	[tilespmem:s19], [sflag:$0x1] =	stream.indirect.gather [hbm4b:s1+s18], $0x40, s4, s18, $0xb8;
	[tilespmem:$0x1B240] =	vst v63  }
0x8e: {  	_ =	swait.ge [sflag:s25], $0x1400  }
0x8f: {  	[sflag:s25] =	ssyncset.done $0x0  }
0x90: {  	s13 =	sadd.s32 $0x4EC0, s0;
	[sflag:s25] =	ssyncadd.s32 $0xFFFFEC00  }
0x91: {  	[spmem:s3] =	stream.indirect.scatter.add.f32 [tilespmem:s22], [sflag:$0x7], $0x40, s13, s18, $0xb8;
	[tilespmem:$0x1B240] =	vst v63  }
0x92: {  	_ =	swait.ge [sflag:s26], $0x1400  }
0x93: {  	[sflag:s26] =	ssyncset.done $0x0  }
0x94: {  	s0 =	sadd.s32 $0x190, s0;
	[sflag:s26] =	ssyncadd.s32 $0xFFFFEC00  }
0x95: {  	[tilespmem:s20], [sflag:$0x2] =	stream.indirect.gather [hbm4b:s1+s18], $0x40, s0, s18, $0xb8;
	[tilespmem:$0x1B240] =	vst v63  }
0x96: {  	_ =	swait.ge [sflag:s28], $0x1400  }
0x97: {  	[sflag:s28] =	ssyncset.done $0x0  }
0x98: {  	s31 =	simm.s32 $0x9B50;
	[sflag:s28] =	ssyncadd.s32 $0xFFFFEC00  }
0x99: {  	[spmem:s3] =	stream.indirect.scatter.add.f32 [tilespmem:s23], [sflag:$0x8], $0x40, s31, s18, $0xb8;
	[tilespmem:$0x1B240] =	vst v63  }
0x9a: {  	_ =	swait.ge [sflag:s29], $0x1400  }
0x9b: {  	[sflag:s29] =	ssyncset.done $0x0  }
0x9c: {  	[sflag:s29] =	ssyncadd.s32 $0xFFFFEC00  }
0x9d: {  	_ =	swait.ge [sflag:s16], $0x1400  }
0x9e: {  	[sflag:s16] =	ssyncset.done $0x0  }
0x9f: {  	s2 =	simm.s32 $0x9BA0;
	[sflag:s16] =	ssyncadd.s32 $0xFFFFEC00  }
0xa0: {  	[spmem:s3] =	stream.indirect.scatter.add.f32 [tilespmem:s19], [sflag:$0x5], $0x40, s2, s18, $0xb8;
	[tilespmem:$0x1B240] =	vst v63  }
0xa1: {  	_ =	swait.ge [sflag:s30], $0x1400  }
0xa2: {  	[sflag:s30] =	ssyncset.done $0x0  }
0xa3: {  	[sflag:s30] =	ssyncadd.s32 $0xFFFFEC00  }
0xa4: {  	_ =	swait.ge [sflag:s17], $0x1400  }
0xa5: {  	[sflag:s17] =	ssyncset.done $0x0  }
0xa6: {  	s4 =	simm.s32 $0x9BF0;
	[sflag:s17] =	ssyncadd.s32 $0xFFFFEC00  }
0xa7: {  	[spmem:s3] =	stream.indirect.scatter.add.f32 [tilespmem:s20], [sflag:$0x6], $0x40, s4, s18, $0xb8;
	[tilespmem:$0x1B240] =	vst v63  }
0xa8: {  	_ =	swait.ge [sflag:s24], $0x1400  }
0xa9: {  	[sflag:s24] =	ssyncset.done $0x0  }
0xaa: {  	[sflag:s24] =	ssyncadd.s32 $0xFFFFEC00  }
0xab: {  	s13 =	stileid.u32;
	_ =	swait.ge [sflag:s26], $0x1400  }
0xac: {  	s21 =	sadd.s32 $0x1, s21;
	s0 =	sshll.u32 s13, $0x6;
	[sflag:s26] =	ssyncset.done $0x0  }
0xad: {  	p0 =	sne.s32 s21, s12;
	s0 =	sor.u32 $0x1C09, s0;
	[sflag:s26] =	ssyncadd.s32 $0xFFFFEC00  }
.Ltmp2:
0xae: {  	s31 =	sshrl.u32 s7, $0x3;
	[bflag:$0x0] =	sbarrier.arrive $0xFFFF;
	(pc) =	sbr.rel @p0 .LBB2_1-.Ltmp2, $4  }
0xaf: {  	[hbm:s11], [sflag:s0] =	dma.local [spmem:s31], $0x13C0  }
0xb0: {  	_ =	swait.ge [sflag:s15], $0x13C0  }
0xb1: {  	[sflag:s15] =	ssyncset.done $0x0  }
0xb2: {  	[sflag:s15] =	ssyncadd.s32 $0xFFFFEC40  }
0xb3: {  	_ =	sfence.sel $0x180000  }
0xb4: {  	[bflag:$0x0] =	sbarrier.arrive $0xFFFF  }
0xb5: {  	_ =	strace $0x9000004A  }
0xb6: {  	s0 =	stileid.u32;
	[bflag:$0x2] =	sbarrier.arrive $0xFFFF  }
0xb7: {  	p0 =	sne.s32 s0, $0x0;
	s0 =	rddreg [dreg:$0x3]  }
0xb8: {  	s0 =	sadd.s32 @!p0 $0x100000, s0  }
0xb9: {  	[sflag:s0] =	ssyncadd.tile.s32 @!p0 $0x1;
	_ =	shalt  }
.Lfunc_end2:
_tile_overlayer_lowered:
.L_overlay_start_2:
0xba: {  	(tag) =	ssettag $0x2  }
0xbb: {  	s0 =	rddreg [dreg:$0x0];
	s2 =	stileid.u32  }
0xbc: {  	s1 =	rddreg [dreg:$0x1];
	p0 =	sne.s32 s2, $0x0  }
0xbd: {  	s3 =	rddreg [dreg:$0x2];
	[bflag:$0x3] =	sbarrier.arrive $0xFFFF;
	s2 =	simm.s32 @!p0 $0x1C09  }
0xbe: {  	[timem:s3], [sflag:s2] =	dma.local @!p0 [hbm:s0], s1  }
0xbf: {  	s0 =	simm.s32 @!p0 $0x9  }
0xc0: {  	_ =	swait.ge @!p0 [sflag:s0], s1  }
0xc1: {  	s1 =	ssub.s32 @!p0 $0x0, s1;
	[sflag:s0] =	ssyncset.done @!p0 $0x0  }
0xc2: {  	[sflag:s0] =	ssyncadd.s32 @!p0 s1  }
0xc3: {  	[bflag:$0x3] =	sbarrier.arrive $0xFFFF  }
0xc4: {  	_ =	shalt  }

</sc_bundles>
